<compile_context>
chip_gen: v7x
topology: tpu7x:2x2x1
jax: 0.10.2.dev20260603
libtpu: 0.0.44.dev20260713+nightly
codegen_flags: <defaults>
</compile_context>

<pallas_src>
import functools

import jax
import jax.numpy as jnp
import numpy as np
from jax import lax
from jax.experimental import pallas as pl
from jax.experimental.pallas import tpu as pltpu
from jax.experimental.pallas import tpu_sc as plsc

N_NODES = 10000
N_EDGES = 320000
D = 128

NC = 2
NS = 16
NW = NC * NS

N_PAD = NS * 640
CHUNK = 128
CHUNKS_PER_W = 80
STAGES = 2
CHUNKS_PER_STAGE = CHUNKS_PER_W // STAGES
E_PAD = NW * CHUNKS_PER_W * CHUNK
STRIPE = N_PAD // NS
DRAIN_STEPS = STRIPE // CHUNK

_PAD_E = E_PAD - N_EDGES
_SRC_TAIL = np.arange(_PAD_E, dtype=np.int32) % N_NODES
_DST_TAIL = N_NODES + np.arange(_PAD_E, dtype=np.int32) % (N_PAD - N_NODES)


def _bdot(a, b):
    return jnp.dot(
        a.astype(jnp.bfloat16),
        b.astype(jnp.bfloat16),
        preferred_element_type=jnp.float32,
    )


def _mm1_body(ih_ref, h_ref, lh_ref, pos_ref, w1a, w1b, w1c, w1d, z_ref):
    acc = _bdot(ih_ref[...], w1a[...])
    acc += _bdot(h_ref[...], w1b[...])
    acc += _bdot(lh_ref[...], w1c[...])
    acc += pos_ref[...][:, None] * w1d[...]
    z_ref[...] = acc


def _mm2_body(z_ref, a0_ref, a1_ref, b1_ref, w2_ref, b2_ref, out_ref):
    pre = z_ref[...] + a0_ref[0] + a1_ref[0] + b1_ref[...]
    pre = jnp.maximum(pre, 0.0)
    out_ref[...] = _bdot(pre, w2_ref[...]) + b2_ref[...]


def _sc_segment_sum(z, src_p, dst_p):
    mesh = plsc.VectorSubcoreMesh(core_axis_name="c", subcore_axis_name="s")

    @functools.partial(
        pl.kernel,
        mesh=mesh,
        out_type=jax.ShapeDtypeStruct((NC, N_PAD, D), jnp.float32),
        scratch_types=[
            pltpu.VMEM_SHARED((N_PAD, D), jnp.float32),
            pltpu.VMEM((CHUNKS_PER_STAGE, CHUNK), jnp.int32),
            pltpu.VMEM((CHUNKS_PER_STAGE, CHUNK), jnp.int32),
            pltpu.VMEM((CHUNK, D), jnp.float32),
            pltpu.VMEM((CHUNK, D), jnp.float32),
            pltpu.SemaphoreType.DMA,
            pltpu.SemaphoreType.DMA,
            pltpu.SemaphoreType.DMA,
        ],
    )
    def seg_sum(z_hbm, src_hbm, dst_hbm, out_hbm,
                acc, src_v, dst_v, rows0, rows1, sem0, sem1, sem_init):
        cid = lax.axis_index("c")
        sid = lax.axis_index("s")
        wid = sid * NC + cid

        bufs = (rows0, rows1)
        sems = (sem0, sem1)

        def gather(j, b):
            pltpu.async_copy(z_hbm.at[src_v.at[j]], bufs[b], sems[b])

        def gather_wait(b):
            pltpu.make_async_copy(z_hbm.at[pl.ds(0, CHUNK)], bufs[b], sems[b]).wait()

        with jax.named_scope("acc_init"):
            def zrow(r, carry):
                zero16 = jnp.zeros((16,), jnp.float32)
                for c in range(D // 16):
                    rows1[r, pl.ds(c * 16, 16)] = zero16
                return carry

            lax.fori_loop(0, CHUNK, zrow, 0)
            init_cps = [
                pltpu.async_copy(
                    rows1,
                    acc.at[pl.ds(sid * STRIPE + k * CHUNK, CHUNK)],
                    sem_init,
                )
                for k in range(DRAIN_STEPS)
            ]
            base0 = wid * CHUNKS_PER_W
            pltpu.sync_copy(src_hbm.at[pl.ds(base0, CHUNKS_PER_STAGE)], src_v)
            pltpu.sync_copy(dst_hbm.at[pl.ds(base0, CHUNKS_PER_STAGE)], dst_v)
            gather(0, 0)
            for cp in init_cps:
                cp.wait()
            gather(1, 1)
            plsc.subcore_barrier()

        for h in range(STAGES):
            with jax.named_scope(f"edges{h}"):
                if h > 0:
                    base = wid * CHUNKS_PER_W + h * CHUNKS_PER_STAGE
                    pltpu.sync_copy(
                        src_hbm.at[pl.ds(base, CHUNKS_PER_STAGE)], src_v
                    )
                    pltpu.sync_copy(
                        dst_hbm.at[pl.ds(base, CHUNKS_PER_STAGE)], dst_v
                    )
                    gather(0, 0)
                    gather(1, 1)

                def body(i, carry):
                    for b in range(2):
                        j = 2 * i + b
                        gather_wait(b)
                        pltpu.sync_copy(bufs[b], acc.at[dst_v.at[j]], add=True)

                        @pl.when(j + 2 < CHUNKS_PER_STAGE)
                        def _():
                            gather(j + 2, b)

                    return carry

                lax.fori_loop(0, CHUNKS_PER_STAGE // 2, body, 0)
        with jax.named_scope("drain"):
            plsc.subcore_barrier()
            pltpu.sync_copy(
                acc.at[pl.ds(sid * STRIPE, STRIPE)],
                out_hbm.at[cid, pl.ds(sid * STRIPE, STRIPE)],
            )

    return seg_sum(z, src_p, dst_p)


def kernel(input_hidden, hidden, last_hidden, edge_index, pos, W1, b1, W2, b2):
    w1a = W1[0:D]
    w1b = W1[D : 2 * D]
    w1c = W1[2 * D : 3 * D]
    w1d = W1[3 * D : 3 * D + 1]
    b1r = b1[None, :]
    b2r = b2[None, :]

    s_src = lax.slice(edge_index, (0, 0), (1, N_EDGES))
    s_dst = lax.slice(edge_index, (1, 0), (2, N_EDGES))
    src_p = jnp.concatenate([s_src, jnp.asarray(_SRC_TAIL[None, :])], axis=1).reshape(
        NW * CHUNKS_PER_W, CHUNK
    )
    dst_p = jnp.concatenate([s_dst, jnp.asarray(_DST_TAIL[None, :])], axis=1).reshape(
        NW * CHUNKS_PER_W, CHUNK
    )

    blk = 1024
    grid = (pl.cdiv(N_NODES, blk),)
    row_spec = pl.BlockSpec((blk, D), lambda i: (i, 0))
    w_spec = pl.BlockSpec((D, D), lambda i: (0, 0))
    bias_spec = pl.BlockSpec((1, D), lambda i: (0, 0))
    z = pl.pallas_call(
        _mm1_body,
        grid=grid,
        in_specs=[
            row_spec,
            row_spec,
            row_spec,
            pl.BlockSpec((blk,), lambda i: (i,)),
            w_spec,
            w_spec,
            w_spec,
            bias_spec,
        ],
        out_specs=row_spec,
        out_shape=jax.ShapeDtypeStruct((N_NODES, D), jnp.float32),
    )(input_hidden, hidden, last_hidden, pos, w1a, w1b, w1c, w1d)

    agg2 = _sc_segment_sum(z, src_p, dst_p)

    out = pl.pallas_call(
        _mm2_body,
        grid=grid,
        in_specs=[
            row_spec,
            pl.BlockSpec((1, blk, D), lambda i: (0, i, 0)),
            pl.BlockSpec((1, blk, D), lambda i: (1, i, 0)),
            bias_spec,
            w_spec,
            bias_spec,
        ],
        out_specs=row_spec,
        out_shape=jax.ShapeDtypeStruct((N_NODES, D), jnp.float32),
    )(z, agg2, agg2, b1r, W2, b2r)
    return out

# --- scband reference (transcript-rebuilt; emitter-appended) ---
"""Pipeline reference for scband-processor-legacy-46119358825088 (READ-ONLY COPY).

The authoritative reference and input builder live on the scoring server;
editing this copy changes nothing except your own understanding.
"""

import jax, jax.numpy as jnp
import numpy as np

N_NODES = 10000
N_EDGES = 320000
D_HID = 128
IN_CH = 3 * D_HID + 1  # 385
OUT_CH = 128
EPS = 0.0


def setup_inputs(seed: int = 0) -> dict:
    key = jax.random.key(seed)
    k1, k2, k3, k4, k5, k6, k7, k8, k9 = jax.random.split(key, 9)
    input_hidden = jax.random.normal(k1, (N_NODES, D_HID), dtype=jnp.float32)
    hidden = jax.random.normal(k2, (N_NODES, D_HID), dtype=jnp.float32)
    last_hidden = jax.random.normal(k3, (N_NODES, D_HID), dtype=jnp.float32)
    edge_index = jax.random.randint(k4, (2, N_EDGES), 0, N_NODES, dtype=jnp.int64 if jax.config.jax_enable_x64 else jnp.int32).astype(jnp.int32)
    pos = jax.random.uniform(k5, (N_NODES,), dtype=jnp.float32)
    # GIN MLP parameters: Linear(IN_CH, OUT_CH) -> ReLU -> Linear(OUT_CH, OUT_CH)
    W1 = jax.random.normal(k6, (IN_CH, OUT_CH), dtype=jnp.float32) * (1.0 / np.sqrt(IN_CH))
    b1 = jnp.zeros((OUT_CH,), dtype=jnp.float32)
    W2 = jax.random.normal(k7, (OUT_CH, OUT_CH), dtype=jnp.float32) * (1.0 / np.sqrt(OUT_CH))
    b2 = jnp.zeros((OUT_CH,), dtype=jnp.float32)
    return {
        "input_hidden": input_hidden,
        "hidden": hidden,
        "last_hidden": last_hidden,
        "edge_index": edge_index,
        "pos": pos,
        "W1": W1,
        "b1": b1,
        "W2": W2,
        "b2": b2,
    }


def reference(input_hidden, hidden, last_hidden, edge_index, pos, W1, b1, W2, b2):
    # stack_hidden: concat along last dim, pos gets unsqueezed
    stacked = jnp.concatenate(
        [input_hidden, hidden, last_hidden, pos[:, None]], axis=-1
    )  # [N, 385]
    src = edge_index[0]
    dst = edge_index[1]
    # GIN message passing: gather source node features along edges
    msgs = jnp.take(stacked, src, axis=0)  # [E, 385]
    # aggr='add': scatter-add into destination nodes
    agg = jax.ops.segment_sum(msgs, dst, num_segments=N_NODES)  # [N, 385]
    h = (1.0 + EPS) * stacked + agg
    # GIN MLP
    h = h @ W1 + b1
    h = jax.nn.relu(h)
    out = h @ W2 + b2
    return out

if __name__ == "__main__":
    import jax
    _d = setup_inputs()
    print(jax.jit(kernel)(*tuple(_d.values())))

</pallas_src>

<mosaic_0001>
#map = affine_map<(d0, d1) -> (0, 0)>
#map1 = affine_map<(d0, d1) -> (0, 0, 0)>
module attributes {stable_mosaic.version = 14 : i64} {
  func.func @seg_sum(%arg0: i32, %arg1: i32, %arg2: memref<10000x128xf32, #tpu.memory_space<hbm>>, %arg3: memref<2560x128xi32, #tpu.memory_space<hbm>>, %arg4: memref<2560x128xi32, #tpu.memory_space<hbm>>, %arg5: memref<2x10240x128xf32, #tpu.memory_space<hbm>>, %arg6: memref<10240x128xf32, #tpu.memory_space<vmem_shared>>, %arg7: memref<40x128xi32, #tpu.memory_space<vmem>>, %arg8: memref<40x128xi32, #tpu.memory_space<vmem>>, %arg9: memref<128x128xf32, #tpu.memory_space<vmem>>, %arg10: memref<128x128xf32, #tpu.memory_space<vmem>>, %arg11: memref<!tpu.dma_semaphore, #tpu.memory_space<semaphore_mem>>, %arg12: memref<!tpu.dma_semaphore, #tpu.memory_space<semaphore_mem>>, %arg13: memref<!tpu.dma_semaphore, #tpu.memory_space<semaphore_mem>>) attributes {dimension_semantics = [#tpu.dimension_semantics<core_parallel>, #tpu.dimension_semantics<subcore_parallel>], iteration_bounds = array<i64: 2, 16>, scalar_prefetch = 0 : i64, scratch_operands = 8 : i64, tpu.core_type = #tpu.core_type<sc_vector_subcore>, window_params = [{transform_indices = #map}, {transform_indices = #map}, {transform_indices = #map}, {transform_indices = #map1}]} {
    %mul3A = arith.constant 2 : i32
    %mul3A_0 = arith.muli %arg1, %mul3A : i32
    %add3A = arith.addi %mul3A_0, %arg0 : i32
    "tpu.trace_start"() <{level = 10 : i32, message = "acc_init"}> : () -> ()
    %scan3A = arith.constant 0 : i32
    %scan3A_1 = arith.constant 0 : i32
    %scan3A_2 = arith.constant 128 : i32
    %scan3A_3 = arith.addi %scan3A_1, %scan3A_2 : i32
    %scan3A_4 = arith.constant 1 : i32
    scf.for %scan3A_115 = %scan3A_1 to %scan3A_3 step %scan3A_4  : i32 {
      %broadcast_in_dim3A = arith.constant 0.000000e+00 : f32
      %broadcast_in_dim3A_116 = vector.broadcast %broadcast_in_dim3A : f32 to vector<16xf32>
      %swap3A = arith.index_cast %scan3A_115 : i32 to index
      %swap3A_117 = arith.constant 0 : index
      %swap3A_118 = tpu.vector_load %arg10[%swap3A, %swap3A_117] {strides = array<i32>} : memref<128x128xf32, #tpu.memory_space<vmem>>, vector<1x16xf32>,
      %swap3A_119 = vector.shape_cast %swap3A_118 : vector<1x16xf32> to vector<16xf32>
      %swap3A_120 = vector.shape_cast %broadcast_in_dim3A_116 : vector<16xf32> to vector<1x16xf32>
      tpu.vector_store %arg10[%swap3A, %swap3A_117], %swap3A_120 {strides = array<i32>} : memref<128x128xf32, #tpu.memory_space<vmem>>, vector<1x16xf32>,
      %swap3A_121 = arith.index_cast %scan3A_115 : i32 to index
      %swap3A_122 = arith.constant 16 : index
      %swap3A_123 = tpu.vector_load %arg10[%swap3A_121, %swap3A_122] {strides = array<i32>} : memref<128x128xf32, #tpu.memory_space<vmem>>, vector<1x16xf32>,
      %swap3A_124 = vector.shape_cast %swap3A_123 : vector<1x16xf32> to vector<16xf32>
      %swap3A_125 = vector.shape_cast %broadcast_in_dim3A_116 : vector<16xf32> to vector<1x16xf32>
      tpu.vector_store %arg10[%swap3A_121, %swap3A_122], %swap3A_125 {strides = array<i32>} : memref<128x128xf32, #tpu.memory_space<vmem>>, vector<1x16xf32>,
      %swap3A_126 = arith.index_cast %scan3A_115 : i32 to index
      %swap3A_127 = arith.constant 32 : index
      %swap3A_128 = tpu.vector_load %arg10[%swap3A_126, %swap3A_127] {strides = array<i32>} : memref<128x128xf32, #tpu.memory_space<vmem>>, vector<1x16xf32>,
      %swap3A_129 = vector.shape_cast %swap3A_128 : vector<1x16xf32> to vector<16xf32>
      %swap3A_130 = vector.shape_cast %broadcast_in_dim3A_116 : vector<16xf32> to vector<1x16xf32>
      tpu.vector_store %arg10[%swap3A_126, %swap3A_127], %swap3A_130 {strides = array<i32>} : memref<128x128xf32, #tpu.memory_space<vmem>>, vector<1x16xf32>,
      %swap3A_131 = arith.index_cast %scan3A_115 : i32 to index
      %swap3A_132 = arith.constant 48 : index
      %swap3A_133 = tpu.vector_load %arg10[%swap3A_131, %swap3A_132] {strides = array<i32>} : memref<128x128xf32, #tpu.memory_space<vmem>>, vector<1x16xf32>,
      %swap3A_134 = vector.shape_cast %swap3A_133 : vector<1x16xf32> to vector<16xf32>
      %swap3A_135 = vector.shape_cast %broadcast_in_dim3A_116 : vector<16xf32> to vector<1x16xf32>
      tpu.vector_store %arg10[%swap3A_131, %swap3A_132], %swap3A_135 {strides = array<i32>} : memref<128x128xf32, #tpu.memory_space<vmem>>, vector<1x16xf32>,
      %swap3A_136 = arith.index_cast %scan3A_115 : i32 to index
      %swap3A_137 = arith.constant 64 : index
      %swap3A_138 = tpu.vector_load %arg10[%swap3A_136, %swap3A_137] {strides = array<i32>} : memref<128x128xf32, #tpu.memory_space<vmem>>, vector<1x16xf32>,
      %swap3A_139 = vector.shape_cast %swap3A_138 : vector<1x16xf32> to vector<16xf32>
      %swap3A_140 = vector.shape_cast %broadcast_in_dim3A_116 : vector<16xf32> to vector<1x16xf32>
      tpu.vector_store %arg10[%swap3A_136, %swap3A_137], %swap3A_140 {strides = array<i32>} : memref<128x128xf32, #tpu.memory_space<vmem>>, vector<1x16xf32>,
      %swap3A_141 = arith.index_cast %scan3A_115 : i32 to index
      %swap3A_142 = arith.constant 80 : index
      %swap3A_143 = tpu.vector_load %arg10[%swap3A_141, %swap3A_142] {strides = array<i32>} : memref<128x128xf32, #tpu.memory_space<vmem>>, vector<1x16xf32>,
      %swap3A_144 = vector.shape_cast %swap3A_143 : vector<1x16xf32> to vector<16xf32>
      %swap3A_145 = vector.shape_cast %broadcast_in_dim3A_116 : vector<16xf32> to vector<1x16xf32>
      tpu.vector_store %arg10[%swap3A_141, %swap3A_142], %swap3A_145 {strides = array<i32>} : memref<128x128xf32, #tpu.memory_space<vmem>>, vector<1x16xf32>,
      %swap3A_146 = arith.index_cast %scan3A_115 : i32 to index
      %swap3A_147 = arith.constant 96 : index
      %swap3A_148 = tpu.vector_load %arg10[%swap3A_146, %swap3A_147] {strides = array<i32>} : memref<128x128xf32, #tpu.memory_space<vmem>>, vector<1x16xf32>,
      %swap3A_149 = vector.shape_cast %swap3A_148 : vector<1x16xf32> to vector<16xf32>
      %swap3A_150 = vector.shape_cast %broadcast_in_dim3A_116 : vector<16xf32> to vector<1x16xf32>
      tpu.vector_store %arg10[%swap3A_146, %swap3A_147], %swap3A_150 {strides = array<i32>} : memref<128x128xf32, #tpu.memory_space<vmem>>, vector<1x16xf32>,
      %swap3A_151 = arith.index_cast %scan3A_115 : i32 to index
      %swap3A_152 = arith.constant 112 : index
      %swap3A_153 = tpu.vector_load %arg10[%swap3A_151, %swap3A_152] {strides = array<i32>} : memref<128x128xf32, #tpu.memory_space<vmem>>, vector<1x16xf32>,
      %swap3A_154 = vector.shape_cast %swap3A_153 : vector<1x16xf32> to vector<16xf32>
      %swap3A_155 = vector.shape_cast %broadcast_in_dim3A_116 : vector<16xf32> to vector<1x16xf32>
      tpu.vector_store %arg10[%swap3A_151, %swap3A_152], %swap3A_155 {strides = array<i32>} : memref<128x128xf32, #tpu.memory_space<vmem>>, vector<1x16xf32>,
    }
    %scan3A_5 = arith.constant 128 : i32
    %mul3A_6 = arith.constant 640 : i32
    %mul3A_7 = arith.muli %arg1, %mul3A_6 : i32
    %add3A_8 = arith.constant 0 : i32
    %add3A_9 = arith.addi %mul3A_7, %add3A_8 : i32
    %dma_start3A = arith.constant 0 : i32
    %dma_start3A_10 = tpu.memref_slice %arg6[%add3A_9, %dma_start3A] : memref<10240x128xf32, #tpu.memory_space<vmem_shared>> -> memref<128x128xf32, #tpu.memory_space<vmem_shared>>
    %dma_start3A_11 = arith.constant 0 : i32
    %dma_start3A_12 = tpu.memref_slice %arg6[%add3A_9, %dma_start3A_11] : memref<10240x128xf32, #tpu.memory_space<vmem_shared>> -> memref<128x128xf32, #tpu.memory_space<vmem_shared>>
    tpu.enqueue_dma source(%arg10 : memref<128x128xf32, #tpu.memory_space<vmem>>) target(%dma_start3A_12 : memref<128x128xf32, #tpu.memory_space<vmem_shared>>) target_semaphore(%arg13 : memref<!tpu.dma_semaphore, #tpu.memory_space<semaphore_mem>>)
    %mul3A_13 = arith.constant 640 : i32
    %mul3A_14 = arith.muli %arg1, %mul3A_13 : i32
    %add3A_15 = arith.constant 128 : i32
    %add3A_16 = arith.addi %mul3A_14, %add3A_15 : i32
    %dma_start3A_17 = arith.constant 0 : i32
    %dma_start3A_18 = tpu.memref_slice %arg6[%add3A_16, %dma_start3A_17] : memref<10240x128xf32, #tpu.memory_space<vmem_shared>> -> memref<128x128xf32, #tpu.memory_space<vmem_shared>>
    %dma_start3A_19 = arith.constant 0 : i32
    %dma_start3A_20 = tpu.memref_slice %arg6[%add3A_16, %dma_start3A_19] : memref<10240x128xf32, #tpu.memory_space<vmem_shared>> -> memref<128x128xf32, #tpu.memory_space<vmem_shared>>
    tpu.enqueue_dma source(%arg10 : memref<128x128xf32, #tpu.memory_space<vmem>>) target(%dma_start3A_20 : memref<128x128xf32, #tpu.memory_space<vmem_shared>>) target_semaphore(%arg13 : memref<!tpu.dma_semaphore, #tpu.memory_space<semaphore_mem>>)
    %mul3A_21 = arith.constant 640 : i32
    %mul3A_22 = arith.muli %arg1, %mul3A_21 : i32
    %add3A_23 = arith.constant 256 : i32
    %add3A_24 = arith.addi %mul3A_22, %add3A_23 : i32
    %dma_start3A_25 = arith.constant 0 : i32
    %dma_start3A_26 = tpu.memref_slice %arg6[%add3A_24, %dma_start3A_25] : memref<10240x128xf32, #tpu.memory_space<vmem_shared>> -> memref<128x128xf32, #tpu.memory_space<vmem_shared>>
    %dma_start3A_27 = arith.constant 0 : i32
    %dma_start3A_28 = tpu.memref_slice %arg6[%add3A_24, %dma_start3A_27] : memref<10240x128xf32, #tpu.memory_space<vmem_shared>> -> memref<128x128xf32, #tpu.memory_space<vmem_shared>>
    tpu.enqueue_dma source(%arg10 : memref<128x128xf32, #tpu.memory_space<vmem>>) target(%dma_start3A_28 : memref<128x128xf32, #tpu.memory_space<vmem_shared>>) target_semaphore(%arg13 : memref<!tpu.dma_semaphore, #tpu.memory_space<semaphore_mem>>)
    %mul3A_29 = arith.constant 640 : i32
    %mul3A_30 = arith.muli %arg1, %mul3A_29 : i32
    %add3A_31 = arith.constant 384 : i32
    %add3A_32 = arith.addi %mul3A_30, %add3A_31 : i32
    %dma_start3A_33 = arith.constant 0 : i32
    %dma_start3A_34 = tpu.memref_slice %arg6[%add3A_32, %dma_start3A_33] : memref<10240x128xf32, #tpu.memory_space<vmem_shared>> -> memref<128x128xf32, #tpu.memory_space<vmem_shared>>
    %dma_start3A_35 = arith.constant 0 : i32
    %dma_start3A_36 = tpu.memref_slice %arg6[%add3A_32, %dma_start3A_35] : memref<10240x128xf32, #tpu.memory_space<vmem_shared>> -> memref<128x128xf32, #tpu.memory_space<vmem_shared>>
    tpu.enqueue_dma source(%arg10 : memref<128x128xf32, #tpu.memory_space<vmem>>) target(%dma_start3A_36 : memref<128x128xf32, #tpu.memory_space<vmem_shared>>) target_semaphore(%arg13 : memref<!tpu.dma_semaphore, #tpu.memory_space<semaphore_mem>>)
    %mul3A_37 = arith.constant 640 : i32
    %mul3A_38 = arith.muli %arg1, %mul3A_37 : i32
    %add3A_39 = arith.constant 512 : i32
    %add3A_40 = arith.addi %mul3A_38, %add3A_39 : i32
    %dma_start3A_41 = arith.constant 0 : i32
    %dma_start3A_42 = tpu.memref_slice %arg6[%add3A_40, %dma_start3A_41] : memref<10240x128xf32, #tpu.memory_space<vmem_shared>> -> memref<128x128xf32, #tpu.memory_space<vmem_shared>>
    %dma_start3A_43 = arith.constant 0 : i32
    %dma_start3A_44 = tpu.memref_slice %arg6[%add3A_40, %dma_start3A_43] : memref<10240x128xf32, #tpu.memory_space<vmem_shared>> -> memref<128x128xf32, #tpu.memory_space<vmem_shared>>
    tpu.enqueue_dma source(%arg10 : memref<128x128xf32, #tpu.memory_space<vmem>>) target(%dma_start3A_44 : memref<128x128xf32, #tpu.memory_space<vmem_shared>>) target_semaphore(%arg13 : memref<!tpu.dma_semaphore, #tpu.memory_space<semaphore_mem>>)
    %mul3A_45 = arith.constant 80 : i32
    %mul3A_46 = arith.muli %add3A, %mul3A_45 : i32
    "tpu.region"() ({
      %run_scoped3A = tpu.sem_alloc : memref<!tpu.dma_semaphore, #tpu.memory_space<semaphore_mem>>
      %dma_start3A_115 = arith.constant 0 : i32
      %dma_start3A_116 = tpu.memref_slice %arg3[%mul3A_46, %dma_start3A_115] : memref<2560x128xi32, #tpu.memory_space<hbm>> -> memref<40x128xi32, #tpu.memory_space<hbm>>
      %dma_start3A_117 = arith.constant 0 : i32
      %dma_start3A_118 = tpu.memref_slice %arg3[%mul3A_46, %dma_start3A_117] : memref<2560x128xi32, #tpu.memory_space<hbm>> -> memref<40x128xi32, #tpu.memory_space<hbm>>
      tpu.enqueue_dma source(%dma_start3A_118 : memref<40x128xi32, #tpu.memory_space<hbm>>) target(%arg7 : memref<40x128xi32, #tpu.memory_space<vmem>>) target_semaphore(%run_scoped3A : memref<!tpu.dma_semaphore, #tpu.memory_space<semaphore_mem>>)
      %dma_wait3A_119 = arith.constant 0 : i32
      %dma_wait3A_120 = tpu.memref_slice %arg3[%mul3A_46, %dma_wait3A_119] : memref<2560x128xi32, #tpu.memory_space<hbm>> -> memref<40x128xi32, #tpu.memory_space<hbm>>
      %dma_wait3A_121 = arith.constant 0 : i32
      %dma_wait3A_122 = tpu.memref_slice %arg3[%mul3A_46, %dma_wait3A_121] : memref<2560x128xi32, #tpu.memory_space<hbm>> -> memref<40x128xi32, #tpu.memory_space<hbm>>
      tpu.wait_dma2 semaphore(%run_scoped3A : memref<!tpu.dma_semaphore, #tpu.memory_space<semaphore_mem>>) src(%dma_wait3A_122 : memref<40x128xi32, #tpu.memory_space<hbm>>) dst(%arg7 : memref<40x128xi32, #tpu.memory_space<vmem>>)
      tpu.yield
    }) : () -> ()
    "tpu.region"() ({
      %run_scoped3A = tpu.sem_alloc : memref<!tpu.dma_semaphore, #tpu.memory_space<semaphore_mem>>
      %dma_start3A_115 = arith.constant 0 : i32
      %dma_start3A_116 = tpu.memref_slice %arg4[%mul3A_46, %dma_start3A_115] : memref<2560x128xi32, #tpu.memory_space<hbm>> -> memref<40x128xi32, #tpu.memory_space<hbm>>
      %dma_start3A_117 = arith.constant 0 : i32
      %dma_start3A_118 = tpu.memref_slice %arg4[%mul3A_46, %dma_start3A_117] : memref<2560x128xi32, #tpu.memory_space<hbm>> -> memref<40x128xi32, #tpu.memory_space<hbm>>
      tpu.enqueue_dma source(%dma_start3A_118 : memref<40x128xi32, #tpu.memory_space<hbm>>) target(%arg8 : memref<40x128xi32, #tpu.memory_space<vmem>>) target_semaphore(%run_scoped3A : memref<!tpu.dma_semaphore, #tpu.memory_space<semaphore_mem>>)
      %dma_wait3A_119 = arith.constant 0 : i32
      %dma_wait3A_120 = tpu.memref_slice %arg4[%mul3A_46, %dma_wait3A_119] : memref<2560x128xi32, #tpu.memory_space<hbm>> -> memref<40x128xi32, #tpu.memory_space<hbm>>
      %dma_wait3A_121 = arith.constant 0 : i32
      %dma_wait3A_122 = tpu.memref_slice %arg4[%mul3A_46, %dma_wait3A_121] : memref<2560x128xi32, #tpu.memory_space<hbm>> -> memref<40x128xi32, #tpu.memory_space<hbm>>
      tpu.wait_dma2 semaphore(%run_scoped3A : memref<!tpu.dma_semaphore, #tpu.memory_space<semaphore_mem>>) src(%dma_wait3A_122 : memref<40x128xi32, #tpu.memory_space<hbm>>) dst(%arg8 : memref<40x128xi32, #tpu.memory_space<vmem>>)
      tpu.yield
    }) : () -> ()
    %dma_start3A_47 = arith.constant 0 : i32
    %dma_start3A_48 = arith.constant 0 : i32
    %dma_start3A_49 = tpu.memref_slice %arg7[%dma_start3A_47, %dma_start3A_48] : memref<40x128xi32, #tpu.memory_space<vmem>> -> memref<1x128xi32, #tpu.memory_space<vmem>>
    %dma_start3A_50 = tpu.memref_squeeze %dma_start3A_49 : memref<1x128xi32, #tpu.memory_space<vmem>> -> memref<128xi32, #tpu.memory_space<vmem>>
    %dma_start3A_51 = arith.constant 0 : i32
    %dma_start3A_52 = arith.constant 0 : i32
    %dma_start3A_53 = tpu.memref_slice %arg2[%dma_start3A_51, %dma_start3A_52] : memref<10000x128xf32, #tpu.memory_space<hbm>> -> memref<10000x128xf32, #tpu.memory_space<hbm>>
    tpu.enqueue_indirect_dma source(%dma_start3A_53 : memref<10000x128xf32, #tpu.memory_space<hbm>>) target(%arg9 : memref<128x128xf32, #tpu.memory_space<vmem>>) offsets(%dma_start3A_50 : memref<128xi32, #tpu.memory_space<vmem>>) semaphore(%arg11 : memref<!tpu.dma_semaphore, #tpu.memory_space<semaphore_mem>>)
    %dma_wait3A = arith.constant 0 : i32
    %dma_wait3A_54 = tpu.memref_slice %arg6[%add3A_9, %dma_wait3A] : memref<10240x128xf32, #tpu.memory_space<vmem_shared>> -> memref<128x128xf32, #tpu.memory_space<vmem_shared>>
    %dma_wait3A_55 = arith.constant 0 : i32
    %dma_wait3A_56 = tpu.memref_slice %arg6[%add3A_9, %dma_wait3A_55] : memref<10240x128xf32, #tpu.memory_space<vmem_shared>> -> memref<128x128xf32, #tpu.memory_space<vmem_shared>>
    tpu.wait_dma2 semaphore(%arg13 : memref<!tpu.dma_semaphore, #tpu.memory_space<semaphore_mem>>) src(%arg10 : memref<128x128xf32, #tpu.memory_space<vmem>>) dst(%dma_wait3A_56 : memref<128x128xf32, #tpu.memory_space<vmem_shared>>)
    %dma_wait3A_57 = arith.constant 0 : i32
    %dma_wait3A_58 = tpu.memref_slice %arg6[%add3A_16, %dma_wait3A_57] : memref<10240x128xf32, #tpu.memory_space<vmem_shared>> -> memref<128x128xf32, #tpu.memory_space<vmem_shared>>
    %dma_wait3A_59 = arith.constant 0 : i32
    %dma_wait3A_60 = tpu.memref_slice %arg6[%add3A_16, %dma_wait3A_59] : memref<10240x128xf32, #tpu.memory_space<vmem_shared>> -> memref<128x128xf32, #tpu.memory_space<vmem_shared>>
    tpu.wait_dma2 semaphore(%arg13 : memref<!tpu.dma_semaphore, #tpu.memory_space<semaphore_mem>>) src(%arg10 : memref<128x128xf32, #tpu.memory_space<vmem>>) dst(%dma_wait3A_60 : memref<128x128xf32, #tpu.memory_space<vmem_shared>>)
    %dma_wait3A_61 = arith.constant 0 : i32
    %dma_wait3A_62 = tpu.memref_slice %arg6[%add3A_24, %dma_wait3A_61] : memref<10240x128xf32, #tpu.memory_space<vmem_shared>> -> memref<128x128xf32, #tpu.memory_space<vmem_shared>>
    %dma_wait3A_63 = arith.constant 0 : i32
    %dma_wait3A_64 = tpu.memref_slice %arg6[%add3A_24, %dma_wait3A_63] : memref<10240x128xf32, #tpu.memory_space<vmem_shared>> -> memref<128x128xf32, #tpu.memory_space<vmem_shared>>
    tpu.wait_dma2 semaphore(%arg13 : memref<!tpu.dma_semaphore, #tpu.memory_space<semaphore_mem>>) src(%arg10 : memref<128x128xf32, #tpu.memory_space<vmem>>) dst(%dma_wait3A_64 : memref<128x128xf32, #tpu.memory_space<vmem_shared>>)
    %dma_wait3A_65 = arith.constant 0 : i32
    %dma_wait3A_66 = tpu.memref_slice %arg6[%add3A_32, %dma_wait3A_65] : memref<10240x128xf32, #tpu.memory_space<vmem_shared>> -> memref<128x128xf32, #tpu.memory_space<vmem_shared>>
    %dma_wait3A_67 = arith.constant 0 : i32
    %dma_wait3A_68 = tpu.memref_slice %arg6[%add3A_32, %dma_wait3A_67] : memref<10240x128xf32, #tpu.memory_space<vmem_shared>> -> memref<128x128xf32, #tpu.memory_space<vmem_shared>>
    tpu.wait_dma2 semaphore(%arg13 : memref<!tpu.dma_semaphore, #tpu.memory_space<semaphore_mem>>) src(%arg10 : memref<128x128xf32, #tpu.memory_space<vmem>>) dst(%dma_wait3A_68 : memref<128x128xf32, #tpu.memory_space<vmem_shared>>)
    %dma_wait3A_69 = arith.constant 0 : i32
    %dma_wait3A_70 = tpu.memref_slice %arg6[%add3A_40, %dma_wait3A_69] : memref<10240x128xf32, #tpu.memory_space<vmem_shared>> -> memref<128x128xf32, #tpu.memory_space<vmem_shared>>
    %dma_wait3A_71 = arith.constant 0 : i32
    %dma_wait3A_72 = tpu.memref_slice %arg6[%add3A_40, %dma_wait3A_71] : memref<10240x128xf32, #tpu.memory_space<vmem_shared>> -> memref<128x128xf32, #tpu.memory_space<vmem_shared>>
    tpu.wait_dma2 semaphore(%arg13 : memref<!tpu.dma_semaphore, #tpu.memory_space<semaphore_mem>>) src(%arg10 : memref<128x128xf32, #tpu.memory_space<vmem>>) dst(%dma_wait3A_72 : memref<128x128xf32, #tpu.memory_space<vmem_shared>>)
    %dma_start3A_73 = arith.constant 1 : i32
    %dma_start3A_74 = arith.constant 0 : i32
    %dma_start3A_75 = tpu.memref_slice %arg7[%dma_start3A_73, %dma_start3A_74] : memref<40x128xi32, #tpu.memory_space<vmem>> -> memref<1x128xi32, #tpu.memory_space<vmem>>
    %dma_start3A_76 = tpu.memref_squeeze %dma_start3A_75 : memref<1x128xi32, #tpu.memory_space<vmem>> -> memref<128xi32, #tpu.memory_space<vmem>>
    %dma_start3A_77 = arith.constant 0 : i32
    %dma_start3A_78 = arith.constant 0 : i32
    %dma_start3A_79 = tpu.memref_slice %arg2[%dma_start3A_77, %dma_start3A_78] : memref<10000x128xf32, #tpu.memory_space<hbm>> -> memref<10000x128xf32, #tpu.memory_space<hbm>>
    tpu.enqueue_indirect_dma source(%dma_start3A_79 : memref<10000x128xf32, #tpu.memory_space<hbm>>) target(%arg10 : memref<128x128xf32, #tpu.memory_space<vmem>>) offsets(%dma_start3A_76 : memref<128xi32, #tpu.memory_space<vmem>>) semaphore(%arg12 : memref<!tpu.dma_semaphore, #tpu.memory_space<semaphore_mem>>)
    %barrier3A = arith.constant 0 : index
    tpu.barrier barrier_id(%barrier3A)
    "tpu.trace_stop"() : () -> ()
    "tpu.trace_start"() <{level = 10 : i32, message = "edges0"}> : () -> ()
    %scan3A_80 = arith.constant 0 : i32
    %scan3A_81 = arith.constant 0 : i32
    %scan3A_82 = arith.constant 20 : i32
    %scan3A_83 = arith.addi %scan3A_81, %scan3A_82 : i32
    %scan3A_84 = arith.constant 1 : i32
    scf.for %scan3A_115 = %scan3A_81 to %scan3A_83 step %scan3A_84  : i32 {
      %mul3A_116 = arith.constant 2 : i32
      %mul3A_117 = arith.muli %mul3A_116, %scan3A_115 : i32
      %add3A_118 = arith.constant 0 : i32
      %add3A_119 = arith.addi %mul3A_117, %add3A_118 : i32
      %dma_wait3A_120 = arith.constant 0 : i32
      %dma_wait3A_121 = arith.constant 0 : i32
      %dma_wait3A_122 = tpu.memref_slice %arg2[%dma_wait3A_120, %dma_wait3A_121] : memref<10000x128xf32, #tpu.memory_space<hbm>> -> memref<128x128xf32, #tpu.memory_space<hbm>>
      %dma_wait3A_123 = arith.constant 0 : i32
      %dma_wait3A_124 = arith.constant 0 : i32
      %dma_wait3A_125 = tpu.memref_slice %arg2[%dma_wait3A_123, %dma_wait3A_124] : memref<10000x128xf32, #tpu.memory_space<hbm>> -> memref<128x128xf32, #tpu.memory_space<hbm>>
      tpu.wait_dma2 semaphore(%arg11 : memref<!tpu.dma_semaphore, #tpu.memory_space<semaphore_mem>>) src(%dma_wait3A_125 : memref<128x128xf32, #tpu.memory_space<hbm>>) dst(%arg9 : memref<128x128xf32, #tpu.memory_space<vmem>>)
      "tpu.region"() ({
        %run_scoped3A = tpu.sem_alloc : memref<!tpu.dma_semaphore, #tpu.memory_space<semaphore_mem>>
        %dma_start3A_147 = arith.constant 0 : i32
        %dma_start3A_148 = tpu.memref_slice %arg8[%add3A_119, %dma_start3A_147] : memref<40x128xi32, #tpu.memory_space<vmem>> -> memref<1x128xi32, #tpu.memory_space<vmem>>
        %dma_start3A_149 = tpu.memref_squeeze %dma_start3A_148 : memref<1x128xi32, #tpu.memory_space<vmem>> -> memref<128xi32, #tpu.memory_space<vmem>>
        %dma_start3A_150 = arith.constant 0 : i32
        %dma_start3A_151 = arith.constant 0 : i32
        %dma_start3A_152 = tpu.memref_slice %arg6[%dma_start3A_150, %dma_start3A_151] : memref<10240x128xf32, #tpu.memory_space<vmem_shared>> -> memref<10240x128xf32, #tpu.memory_space<vmem_shared>>
        tpu.enqueue_indirect_dma source(%arg9 : memref<128x128xf32, #tpu.memory_space<vmem>>) target(%dma_start3A_152 : memref<10240x128xf32, #tpu.memory_space<vmem_shared>>) offsets(%dma_start3A_149 : memref<128xi32, #tpu.memory_space<vmem>>) semaphore(%run_scoped3A : memref<!tpu.dma_semaphore, #tpu.memory_space<semaphore_mem>>) {add = true}
        %dma_wait3A_153 = arith.constant 0 : i32
        %dma_wait3A_154 = tpu.memref_slice %arg8[%add3A_119, %dma_wait3A_153] : memref<40x128xi32, #tpu.memory_space<vmem>> -> memref<1x128xi32, #tpu.memory_space<vmem>>
        %dma_wait3A_155 = tpu.memref_squeeze %dma_wait3A_154 : memref<1x128xi32, #tpu.memory_space<vmem>> -> memref<128xi32, #tpu.memory_space<vmem>>
        %dma_wait3A_156 = arith.constant 0 : i32
        %dma_wait3A_157 = arith.constant 0 : i32
        %dma_wait3A_158 = tpu.memref_slice %arg6[%dma_wait3A_156, %dma_wait3A_157] : memref<10240x128xf32, #tpu.memory_space<vmem_shared>> -> memref<10240x128xf32, #tpu.memory_space<vmem_shared>>
        tpu.wait_indirect_dma semaphore(%run_scoped3A : memref<!tpu.dma_semaphore, #tpu.memory_space<semaphore_mem>>) src(%arg9 : memref<128x128xf32, #tpu.memory_space<vmem>>) dst(%dma_wait3A_158 : memref<10240x128xf32, #tpu.memory_space<vmem_shared>>)
        tpu.yield
      }) : () -> ()
      %add3A_126 = arith.constant 2 : i32
      %add3A_127 = arith.addi %add3A_119, %add3A_126 : i32
      %lt3A = arith.constant 40 : i32
      %lt3A_128 = arith.cmpi slt, %add3A_127, %lt3A : i32
      %convert_element_type3A = arith.extui %lt3A_128 : i1 to i32
      %cond3A = arith.constant 0 : i32
      %cond3A_129 = arith.cmpi ne, %convert_element_type3A, %cond3A : i32
      scf.if %cond3A_129 {
        %add3A_147 = arith.constant 2 : i32
        %add3A_148 = arith.addi %add3A_119, %add3A_147 : i32
        %dma_start3A_149 = arith.constant 0 : i32
        %dma_start3A_150 = tpu.memref_slice %arg7[%add3A_148, %dma_start3A_149] : memref<40x128xi32, #tpu.memory_space<vmem>> -> memref<1x128xi32, #tpu.memory_space<vmem>>
        %dma_start3A_151 = tpu.memref_squeeze %dma_start3A_150 : memref<1x128xi32, #tpu.memory_space<vmem>> -> memref<128xi32, #tpu.memory_space<vmem>>
        %dma_start3A_152 = arith.constant 0 : i32
        %dma_start3A_153 = arith.constant 0 : i32
        %dma_start3A_154 = tpu.memref_slice %arg2[%dma_start3A_152, %dma_start3A_153] : memref<10000x128xf32, #tpu.memory_space<hbm>> -> memref<10000x128xf32, #tpu.memory_space<hbm>>
        tpu.enqueue_indirect_dma source(%dma_start3A_154 : memref<10000x128xf32, #tpu.memory_space<hbm>>) target(%arg9 : memref<128x128xf32, #tpu.memory_space<vmem>>) offsets(%dma_start3A_151 : memref<128xi32, #tpu.memory_space<vmem>>) semaphore(%arg11 : memref<!tpu.dma_semaphore, #tpu.memory_space<semaphore_mem>>)
      } else {
      }
      %mul3A_130 = arith.constant 2 : i32
      %mul3A_131 = arith.muli %mul3A_130, %scan3A_115 : i32
      %add3A_132 = arith.constant 1 : i32
      %add3A_133 = arith.addi %mul3A_131, %add3A_132 : i32
      %dma_wait3A_134 = arith.constant 0 : i32
      %dma_wait3A_135 = arith.constant 0 : i32
      %dma_wait3A_136 = tpu.memref_slice %arg2[%dma_wait3A_134, %dma_wait3A_135] : memref<10000x128xf32, #tpu.memory_space<hbm>> -> memref<128x128xf32, #tpu.memory_space<hbm>>
      %dma_wait3A_137 = arith.constant 0 : i32
      %dma_wait3A_138 = arith.constant 0 : i32
      %dma_wait3A_139 = tpu.memref_slice %arg2[%dma_wait3A_137, %dma_wait3A_138] : memref<10000x128xf32, #tpu.memory_space<hbm>> -> memref<128x128xf32, #tpu.memory_space<hbm>>
      tpu.wait_dma2 semaphore(%arg12 : memref<!tpu.dma_semaphore, #tpu.memory_space<semaphore_mem>>) src(%dma_wait3A_139 : memref<128x128xf32, #tpu.memory_space<hbm>>) dst(%arg10 : memref<128x128xf32, #tpu.memory_space<vmem>>)
      "tpu.region"() ({
        %run_scoped3A = tpu.sem_alloc : memref<!tpu.dma_semaphore, #tpu.memory_space<semaphore_mem>>
        %dma_start3A_147 = arith.constant 0 : i32
        %dma_start3A_148 = tpu.memref_slice %arg8[%add3A_133, %dma_start3A_147] : memref<40x128xi32, #tpu.memory_space<vmem>> -> memref<1x128xi32, #tpu.memory_space<vmem>>
        %dma_start3A_149 = tpu.memref_squeeze %dma_start3A_148 : memref<1x128xi32, #tpu.memory_space<vmem>> -> memref<128xi32, #tpu.memory_space<vmem>>
        %dma_start3A_150 = arith.constant 0 : i32
        %dma_start3A_151 = arith.constant 0 : i32
        %dma_start3A_152 = tpu.memref_slice %arg6[%dma_start3A_150, %dma_start3A_151] : memref<10240x128xf32, #tpu.memory_space<vmem_shared>> -> memref<10240x128xf32, #tpu.memory_space<vmem_shared>>
        tpu.enqueue_indirect_dma source(%arg10 : memref<128x128xf32, #tpu.memory_space<vmem>>) target(%dma_start3A_152 : memref<10240x128xf32, #tpu.memory_space<vmem_shared>>) offsets(%dma_start3A_149 : memref<128xi32, #tpu.memory_space<vmem>>) semaphore(%run_scoped3A : memref<!tpu.dma_semaphore, #tpu.memory_space<semaphore_mem>>) {add = true}
        %dma_wait3A_153 = arith.constant 0 : i32
        %dma_wait3A_154 = tpu.memref_slice %arg8[%add3A_133, %dma_wait3A_153] : memref<40x128xi32, #tpu.memory_space<vmem>> -> memref<1x128xi32, #tpu.memory_space<vmem>>
        %dma_wait3A_155 = tpu.memref_squeeze %dma_wait3A_154 : memref<1x128xi32, #tpu.memory_space<vmem>> -> memref<128xi32, #tpu.memory_space<vmem>>
        %dma_wait3A_156 = arith.constant 0 : i32
        %dma_wait3A_157 = arith.constant 0 : i32
        %dma_wait3A_158 = tpu.memref_slice %arg6[%dma_wait3A_156, %dma_wait3A_157] : memref<10240x128xf32, #tpu.memory_space<vmem_shared>> -> memref<10240x128xf32, #tpu.memory_space<vmem_shared>>
        tpu.wait_indirect_dma semaphore(%run_scoped3A : memref<!tpu.dma_semaphore, #tpu.memory_space<semaphore_mem>>) src(%arg10 : memref<128x128xf32, #tpu.memory_space<vmem>>) dst(%dma_wait3A_158 : memref<10240x128xf32, #tpu.memory_space<vmem_shared>>)
        tpu.yield
      }) : () -> ()
      %add3A_140 = arith.constant 2 : i32
      %add3A_141 = arith.addi %add3A_133, %add3A_140 : i32
      %lt3A_142 = arith.constant 40 : i32
      %lt3A_143 = arith.cmpi slt, %add3A_141, %lt3A_142 : i32
      %convert_element_type3A_144 = arith.extui %lt3A_143 : i1 to i32
      %cond3A_145 = arith.constant 0 : i32
      %cond3A_146 = arith.cmpi ne, %convert_element_type3A_144, %cond3A_145 : i32
      scf.if %cond3A_146 {
        %add3A_147 = arith.constant 2 : i32
        %add3A_148 = arith.addi %add3A_133, %add3A_147 : i32
        %dma_start3A_149 = arith.constant 0 : i32
        %dma_start3A_150 = tpu.memref_slice %arg7[%add3A_148, %dma_start3A_149] : memref<40x128xi32, #tpu.memory_space<vmem>> -> memref<1x128xi32, #tpu.memory_space<vmem>>
        %dma_start3A_151 = tpu.memref_squeeze %dma_start3A_150 : memref<1x128xi32, #tpu.memory_space<vmem>> -> memref<128xi32, #tpu.memory_space<vmem>>
        %dma_start3A_152 = arith.constant 0 : i32
        %dma_start3A_153 = arith.constant 0 : i32
        %dma_start3A_154 = tpu.memref_slice %arg2[%dma_start3A_152, %dma_start3A_153] : memref<10000x128xf32, #tpu.memory_space<hbm>> -> memref<10000x128xf32, #tpu.memory_space<hbm>>
        tpu.enqueue_indirect_dma source(%dma_start3A_154 : memref<10000x128xf32, #tpu.memory_space<hbm>>) target(%arg10 : memref<128x128xf32, #tpu.memory_space<vmem>>) offsets(%dma_start3A_151 : memref<128xi32, #tpu.memory_space<vmem>>) semaphore(%arg12 : memref<!tpu.dma_semaphore, #tpu.memory_space<semaphore_mem>>)
      } else {
      }
    }
    %scan3A_85 = arith.constant 20 : i32
    "tpu.trace_stop"() : () -> ()
    "tpu.trace_start"() <{level = 10 : i32, message = "edges1"}> : () -> ()
    %mul3A_86 = arith.constant 80 : i32
    %mul3A_87 = arith.muli %add3A, %mul3A_86 : i32
    %add3A_88 = arith.constant 40 : i32
    %add3A_89 = arith.addi %mul3A_87, %add3A_88 : i32
    "tpu.region"() ({
      %run_scoped3A = tpu.sem_alloc : memref<!tpu.dma_semaphore, #tpu.memory_space<semaphore_mem>>
      %dma_start3A_115 = arith.constant 0 : i32
      %dma_start3A_116 = tpu.memref_slice %arg3[%add3A_89, %dma_start3A_115] : memref<2560x128xi32, #tpu.memory_space<hbm>> -> memref<40x128xi32, #tpu.memory_space<hbm>>
      %dma_start3A_117 = arith.constant 0 : i32
      %dma_start3A_118 = tpu.memref_slice %arg3[%add3A_89, %dma_start3A_117] : memref<2560x128xi32, #tpu.memory_space<hbm>> -> memref<40x128xi32, #tpu.memory_space<hbm>>
      tpu.enqueue_dma source(%dma_start3A_118 : memref<40x128xi32, #tpu.memory_space<hbm>>) target(%arg7 : memref<40x128xi32, #tpu.memory_space<vmem>>) target_semaphore(%run_scoped3A : memref<!tpu.dma_semaphore, #tpu.memory_space<semaphore_mem>>)
      %dma_wait3A_119 = arith.constant 0 : i32
      %dma_wait3A_120 = tpu.memref_slice %arg3[%add3A_89, %dma_wait3A_119] : memref<2560x128xi32, #tpu.memory_space<hbm>> -> memref<40x128xi32, #tpu.memory_space<hbm>>
      %dma_wait3A_121 = arith.constant 0 : i32
      %dma_wait3A_122 = tpu.memref_slice %arg3[%add3A_89, %dma_wait3A_121] : memref<2560x128xi32, #tpu.memory_space<hbm>> -> memref<40x128xi32, #tpu.memory_space<hbm>>
      tpu.wait_dma2 semaphore(%run_scoped3A : memref<!tpu.dma_semaphore, #tpu.memory_space<semaphore_mem>>) src(%dma_wait3A_122 : memref<40x128xi32, #tpu.memory_space<hbm>>) dst(%arg7 : memref<40x128xi32, #tpu.memory_space<vmem>>)
      tpu.yield
    }) : () -> ()
    "tpu.region"() ({
      %run_scoped3A = tpu.sem_alloc : memref<!tpu.dma_semaphore, #tpu.memory_space<semaphore_mem>>
      %dma_start3A_115 = arith.constant 0 : i32
      %dma_start3A_116 = tpu.memref_slice %arg4[%add3A_89, %dma_start3A_115] : memref<2560x128xi32, #tpu.memory_space<hbm>> -> memref<40x128xi32, #tpu.memory_space<hbm>>
      %dma_start3A_117 = arith.constant 0 : i32
      %dma_start3A_118 = tpu.memref_slice %arg4[%add3A_89, %dma_start3A_117] : memref<2560x128xi32, #tpu.memory_space<hbm>> -> memref<40x128xi32, #tpu.memory_space<hbm>>
      tpu.enqueue_dma source(%dma_start3A_118 : memref<40x128xi32, #tpu.memory_space<hbm>>) target(%arg8 : memref<40x128xi32, #tpu.memory_space<vmem>>) target_semaphore(%run_scoped3A : memref<!tpu.dma_semaphore, #tpu.memory_space<semaphore_mem>>)
      %dma_wait3A_119 = arith.constant 0 : i32
      %dma_wait3A_120 = tpu.memref_slice %arg4[%add3A_89, %dma_wait3A_119] : memref<2560x128xi32, #tpu.memory_space<hbm>> -> memref<40x128xi32, #tpu.memory_space<hbm>>
      %dma_wait3A_121 = arith.constant 0 : i32
      %dma_wait3A_122 = tpu.memref_slice %arg4[%add3A_89, %dma_wait3A_121] : memref<2560x128xi32, #tpu.memory_space<hbm>> -> memref<40x128xi32, #tpu.memory_space<hbm>>
      tpu.wait_dma2 semaphore(%run_scoped3A : memref<!tpu.dma_semaphore, #tpu.memory_space<semaphore_mem>>) src(%dma_wait3A_122 : memref<40x128xi32, #tpu.memory_space<hbm>>) dst(%arg8 : memref<40x128xi32, #tpu.memory_space<vmem>>)
      tpu.yield
    }) : () -> ()
    %dma_start3A_90 = arith.constant 0 : i32
    %dma_start3A_91 = arith.constant 0 : i32
    %dma_start3A_92 = tpu.memref_slice %arg7[%dma_start3A_90, %dma_start3A_91] : memref<40x128xi32, #tpu.memory_space<vmem>> -> memref<1x128xi32, #tpu.memory_space<vmem>>
    %dma_start3A_93 = tpu.memref_squeeze %dma_start3A_92 : memref<1x128xi32, #tpu.memory_space<vmem>> -> memref<128xi32, #tpu.memory_space<vmem>>
    %dma_start3A_94 = arith.constant 0 : i32
    %dma_start3A_95 = arith.constant 0 : i32
    %dma_start3A_96 = tpu.memref_slice %arg2[%dma_start3A_94, %dma_start3A_95] : memref<10000x128xf32, #tpu.memory_space<hbm>> -> memref<10000x128xf32, #tpu.memory_space<hbm>>
    tpu.enqueue_indirect_dma source(%dma_start3A_96 : memref<10000x128xf32, #tpu.memory_space<hbm>>) target(%arg9 : memref<128x128xf32, #tpu.memory_space<vmem>>) offsets(%dma_start3A_93 : memref<128xi32, #tpu.memory_space<vmem>>) semaphore(%arg11 : memref<!tpu.dma_semaphore, #tpu.memory_space<semaphore_mem>>)
    %dma_start3A_97 = arith.constant 1 : i32
    %dma_start3A_98 = arith.constant 0 : i32
    %dma_start3A_99 = tpu.memref_slice %arg7[%dma_start3A_97, %dma_start3A_98] : memref<40x128xi32, #tpu.memory_space<vmem>> -> memref<1x128xi32, #tpu.memory_space<vmem>>
    %dma_start3A_100 = tpu.memref_squeeze %dma_start3A_99 : memref<1x128xi32, #tpu.memory_space<vmem>> -> memref<128xi32, #tpu.memory_space<vmem>>
    %dma_start3A_101 = arith.constant 0 : i32
    %dma_start3A_102 = arith.constant 0 : i32
    %dma_start3A_103 = tpu.memref_slice %arg2[%dma_start3A_101, %dma_start3A_102] : memref<10000x128xf32, #tpu.memory_space<hbm>> -> memref<10000x128xf32, #tpu.memory_space<hbm>>
    tpu.enqueue_indirect_dma source(%dma_start3A_103 : memref<10000x128xf32, #tpu.memory_space<hbm>>) target(%arg10 : memref<128x128xf32, #tpu.memory_space<vmem>>) offsets(%dma_start3A_100 : memref<128xi32, #tpu.memory_space<vmem>>) semaphore(%arg12 : memref<!tpu.dma_semaphore, #tpu.memory_space<semaphore_mem>>)
    %scan3A_104 = arith.constant 0 : i32
    %scan3A_105 = arith.constant 0 : i32
    %scan3A_106 = arith.constant 20 : i32
    %scan3A_107 = arith.addi %scan3A_105, %scan3A_106 : i32
    %scan3A_108 = arith.constant 1 : i32
    scf.for %scan3A_115 = %scan3A_105 to %scan3A_107 step %scan3A_108  : i32 {
      %mul3A_116 = arith.constant 2 : i32
      %mul3A_117 = arith.muli %mul3A_116, %scan3A_115 : i32
      %add3A_118 = arith.constant 0 : i32
      %add3A_119 = arith.addi %mul3A_117, %add3A_118 : i32
      %dma_wait3A_120 = arith.constant 0 : i32
      %dma_wait3A_121 = arith.constant 0 : i32
      %dma_wait3A_122 = tpu.memref_slice %arg2[%dma_wait3A_120, %dma_wait3A_121] : memref<10000x128xf32, #tpu.memory_space<hbm>> -> memref<128x128xf32, #tpu.memory_space<hbm>>
      %dma_wait3A_123 = arith.constant 0 : i32
      %dma_wait3A_124 = arith.constant 0 : i32
      %dma_wait3A_125 = tpu.memref_slice %arg2[%dma_wait3A_123, %dma_wait3A_124] : memref<10000x128xf32, #tpu.memory_space<hbm>> -> memref<128x128xf32, #tpu.memory_space<hbm>>
      tpu.wait_dma2 semaphore(%arg11 : memref<!tpu.dma_semaphore, #tpu.memory_space<semaphore_mem>>) src(%dma_wait3A_125 : memref<128x128xf32, #tpu.memory_space<hbm>>) dst(%arg9 : memref<128x128xf32, #tpu.memory_space<vmem>>)
      "tpu.region"() ({
        %run_scoped3A = tpu.sem_alloc : memref<!tpu.dma_semaphore, #tpu.memory_space<semaphore_mem>>
        %dma_start3A_147 = arith.constant 0 : i32
        %dma_start3A_148 = tpu.memref_slice %arg8[%add3A_119, %dma_start3A_147] : memref<40x128xi32, #tpu.memory_space<vmem>> -> memref<1x128xi32, #tpu.memory_space<vmem>>
        %dma_start3A_149 = tpu.memref_squeeze %dma_start3A_148 : memref<1x128xi32, #tpu.memory_space<vmem>> -> memref<128xi32, #tpu.memory_space<vmem>>
        %dma_start3A_150 = arith.constant 0 : i32
        %dma_start3A_151 = arith.constant 0 : i32
        %dma_start3A_152 = tpu.memref_slice %arg6[%dma_start3A_150, %dma_start3A_151] : memref<10240x128xf32, #tpu.memory_space<vmem_shared>> -> memref<10240x128xf32, #tpu.memory_space<vmem_shared>>
        tpu.enqueue_indirect_dma source(%arg9 : memref<128x128xf32, #tpu.memory_space<vmem>>) target(%dma_start3A_152 : memref<10240x128xf32, #tpu.memory_space<vmem_shared>>) offsets(%dma_start3A_149 : memref<128xi32, #tpu.memory_space<vmem>>) semaphore(%run_scoped3A : memref<!tpu.dma_semaphore, #tpu.memory_space<semaphore_mem>>) {add = true}
        %dma_wait3A_153 = arith.constant 0 : i32
        %dma_wait3A_154 = tpu.memref_slice %arg8[%add3A_119, %dma_wait3A_153] : memref<40x128xi32, #tpu.memory_space<vmem>> -> memref<1x128xi32, #tpu.memory_space<vmem>>
        %dma_wait3A_155 = tpu.memref_squeeze %dma_wait3A_154 : memref<1x128xi32, #tpu.memory_space<vmem>> -> memref<128xi32, #tpu.memory_space<vmem>>
        %dma_wait3A_156 = arith.constant 0 : i32
        %dma_wait3A_157 = arith.constant 0 : i32
        %dma_wait3A_158 = tpu.memref_slice %arg6[%dma_wait3A_156, %dma_wait3A_157] : memref<10240x128xf32, #tpu.memory_space<vmem_shared>> -> memref<10240x128xf32, #tpu.memory_space<vmem_shared>>
        tpu.wait_indirect_dma semaphore(%run_scoped3A : memref<!tpu.dma_semaphore, #tpu.memory_space<semaphore_mem>>) src(%arg9 : memref<128x128xf32, #tpu.memory_space<vmem>>) dst(%dma_wait3A_158 : memref<10240x128xf32, #tpu.memory_space<vmem_shared>>)
        tpu.yield
      }) : () -> ()
      %add3A_126 = arith.constant 2 : i32
      %add3A_127 = arith.addi %add3A_119, %add3A_126 : i32
      %lt3A = arith.constant 40 : i32
      %lt3A_128 = arith.cmpi slt, %add3A_127, %lt3A : i32
      %convert_element_type3A = arith.extui %lt3A_128 : i1 to i32
      %cond3A = arith.constant 0 : i32
      %cond3A_129 = arith.cmpi ne, %convert_element_type3A, %cond3A : i32
      scf.if %cond3A_129 {
        %add3A_147 = arith.constant 2 : i32
        %add3A_148 = arith.addi %add3A_119, %add3A_147 : i32
        %dma_start3A_149 = arith.constant 0 : i32
        %dma_start3A_150 = tpu.memref_slice %arg7[%add3A_148, %dma_start3A_149] : memref<40x128xi32, #tpu.memory_space<vmem>> -> memref<1x128xi32, #tpu.memory_space<vmem>>
        %dma_start3A_151 = tpu.memref_squeeze %dma_start3A_150 : memref<1x128xi32, #tpu.memory_space<vmem>> -> memref<128xi32, #tpu.memory_space<vmem>>
        %dma_start3A_152 = arith.constant 0 : i32
        %dma_start3A_153 = arith.constant 0 : i32
        %dma_start3A_154 = tpu.memref_slice %arg2[%dma_start3A_152, %dma_start3A_153] : memref<10000x128xf32, #tpu.memory_space<hbm>> -> memref<10000x128xf32, #tpu.memory_space<hbm>>
        tpu.enqueue_indirect_dma source(%dma_start3A_154 : memref<10000x128xf32, #tpu.memory_space<hbm>>) target(%arg9 : memref<128x128xf32, #tpu.memory_space<vmem>>) offsets(%dma_start3A_151 : memref<128xi32, #tpu.memory_space<vmem>>) semaphore(%arg11 : memref<!tpu.dma_semaphore, #tpu.memory_space<semaphore_mem>>)
      } else {
      }
      %mul3A_130 = arith.constant 2 : i32
      %mul3A_131 = arith.muli %mul3A_130, %scan3A_115 : i32
      %add3A_132 = arith.constant 1 : i32
      %add3A_133 = arith.addi %mul3A_131, %add3A_132 : i32
      %dma_wait3A_134 = arith.constant 0 : i32
      %dma_wait3A_135 = arith.constant 0 : i32
      %dma_wait3A_136 = tpu.memref_slice %arg2[%dma_wait3A_134, %dma_wait3A_135] : memref<10000x128xf32, #tpu.memory_space<hbm>> -> memref<128x128xf32, #tpu.memory_space<hbm>>
      %dma_wait3A_137 = arith.constant 0 : i32
      %dma_wait3A_138 = arith.constant 0 : i32
      %dma_wait3A_139 = tpu.memref_slice %arg2[%dma_wait3A_137, %dma_wait3A_138] : memref<10000x128xf32, #tpu.memory_space<hbm>> -> memref<128x128xf32, #tpu.memory_space<hbm>>
      tpu.wait_dma2 semaphore(%arg12 : memref<!tpu.dma_semaphore, #tpu.memory_space<semaphore_mem>>) src(%dma_wait3A_139 : memref<128x128xf32, #tpu.memory_space<hbm>>) dst(%arg10 : memref<128x128xf32, #tpu.memory_space<vmem>>)
      "tpu.region"() ({
        %run_scoped3A = tpu.sem_alloc : memref<!tpu.dma_semaphore, #tpu.memory_space<semaphore_mem>>
        %dma_start3A_147 = arith.constant 0 : i32
        %dma_start3A_148 = tpu.memref_slice %arg8[%add3A_133, %dma_start3A_147] : memref<40x128xi32, #tpu.memory_space<vmem>> -> memref<1x128xi32, #tpu.memory_space<vmem>>
        %dma_start3A_149 = tpu.memref_squeeze %dma_start3A_148 : memref<1x128xi32, #tpu.memory_space<vmem>> -> memref<128xi32, #tpu.memory_space<vmem>>
        %dma_start3A_150 = arith.constant 0 : i32
        %dma_start3A_151 = arith.constant 0 : i32
        %dma_start3A_152 = tpu.memref_slice %arg6[%dma_start3A_150, %dma_start3A_151] : memref<10240x128xf32, #tpu.memory_space<vmem_shared>> -> memref<10240x128xf32, #tpu.memory_space<vmem_shared>>
        tpu.enqueue_indirect_dma source(%arg10 : memref<128x128xf32, #tpu.memory_space<vmem>>) target(%dma_start3A_152 : memref<10240x128xf32, #tpu.memory_space<vmem_shared>>) offsets(%dma_start3A_149 : memref<128xi32, #tpu.memory_space<vmem>>) semaphore(%run_scoped3A : memref<!tpu.dma_semaphore, #tpu.memory_space<semaphore_mem>>) {add = true}
        %dma_wait3A_153 = arith.constant 0 : i32
        %dma_wait3A_154 = tpu.memref_slice %arg8[%add3A_133, %dma_wait3A_153] : memref<40x128xi32, #tpu.memory_space<vmem>> -> memref<1x128xi32, #tpu.memory_space<vmem>>
        %dma_wait3A_155 = tpu.memref_squeeze %dma_wait3A_154 : memref<1x128xi32, #tpu.memory_space<vmem>> -> memref<128xi32, #tpu.memory_space<vmem>>
        %dma_wait3A_156 = arith.constant 0 : i32
        %dma_wait3A_157 = arith.constant 0 : i32
        %dma_wait3A_158 = tpu.memref_slice %arg6[%dma_wait3A_156, %dma_wait3A_157] : memref<10240x128xf32, #tpu.memory_space<vmem_shared>> -> memref<10240x128xf32, #tpu.memory_space<vmem_shared>>
        tpu.wait_indirect_dma semaphore(%run_scoped3A : memref<!tpu.dma_semaphore, #tpu.memory_space<semaphore_mem>>) src(%arg10 : memref<128x128xf32, #tpu.memory_space<vmem>>) dst(%dma_wait3A_158 : memref<10240x128xf32, #tpu.memory_space<vmem_shared>>)
        tpu.yield
      }) : () -> ()
      %add3A_140 = arith.constant 2 : i32
      %add3A_141 = arith.addi %add3A_133, %add3A_140 : i32
      %lt3A_142 = arith.constant 40 : i32
      %lt3A_143 = arith.cmpi slt, %add3A_141, %lt3A_142 : i32
      %convert_element_type3A_144 = arith.extui %lt3A_143 : i1 to i32
      %cond3A_145 = arith.constant 0 : i32
      %cond3A_146 = arith.cmpi ne, %convert_element_type3A_144, %cond3A_145 : i32
      scf.if %cond3A_146 {
        %add3A_147 = arith.constant 2 : i32
        %add3A_148 = arith.addi %add3A_133, %add3A_147 : i32
        %dma_start3A_149 = arith.constant 0 : i32
        %dma_start3A_150 = tpu.memref_slice %arg7[%add3A_148, %dma_start3A_149] : memref<40x128xi32, #tpu.memory_space<vmem>> -> memref<1x128xi32, #tpu.memory_space<vmem>>
        %dma_start3A_151 = tpu.memref_squeeze %dma_start3A_150 : memref<1x128xi32, #tpu.memory_space<vmem>> -> memref<128xi32, #tpu.memory_space<vmem>>
        %dma_start3A_152 = arith.constant 0 : i32
        %dma_start3A_153 = arith.constant 0 : i32
        %dma_start3A_154 = tpu.memref_slice %arg2[%dma_start3A_152, %dma_start3A_153] : memref<10000x128xf32, #tpu.memory_space<hbm>> -> memref<10000x128xf32, #tpu.memory_space<hbm>>
        tpu.enqueue_indirect_dma source(%dma_start3A_154 : memref<10000x128xf32, #tpu.memory_space<hbm>>) target(%arg10 : memref<128x128xf32, #tpu.memory_space<vmem>>) offsets(%dma_start3A_151 : memref<128xi32, #tpu.memory_space<vmem>>) semaphore(%arg12 : memref<!tpu.dma_semaphore, #tpu.memory_space<semaphore_mem>>)
      } else {
      }
    }
    %scan3A_109 = arith.constant 20 : i32
    "tpu.trace_stop"() : () -> ()
    "tpu.trace_start"() <{level = 10 : i32, message = "drain"}> : () -> ()
    %barrier3A_110 = arith.constant 0 : index
    tpu.barrier barrier_id(%barrier3A_110)
    %mul3A_111 = arith.constant 640 : i32
    %mul3A_112 = arith.muli %arg1, %mul3A_111 : i32
    %mul3A_113 = arith.constant 640 : i32
    %mul3A_114 = arith.muli %arg1, %mul3A_113 : i32
    "tpu.region"() ({
      %run_scoped3A = tpu.sem_alloc : memref<!tpu.dma_semaphore, #tpu.memory_space<semaphore_mem>>
      %dma_start3A_115 = arith.constant 0 : i32
      %dma_start3A_116 = tpu.memref_slice %arg5[%arg0, %mul3A_114, %dma_start3A_115] : memref<2x10240x128xf32, #tpu.memory_space<hbm>> -> memref<1x640x128xf32, #tpu.memory_space<hbm>>
      %dma_start3A_117 = tpu.memref_squeeze %dma_start3A_116 : memref<1x640x128xf32, #tpu.memory_space<hbm>> -> memref<640x128xf32, #tpu.memory_space<hbm>>
      %dma_start3A_118 = arith.constant 0 : i32
      %dma_start3A_119 = tpu.memref_slice %arg6[%mul3A_112, %dma_start3A_118] : memref<10240x128xf32, #tpu.memory_space<vmem_shared>> -> memref<640x128xf32, #tpu.memory_space<vmem_shared>>
      tpu.enqueue_dma source(%dma_start3A_119 : memref<640x128xf32, #tpu.memory_space<vmem_shared>>) target(%dma_start3A_117 : memref<640x128xf32, #tpu.memory_space<hbm>>) target_semaphore(%run_scoped3A : memref<!tpu.dma_semaphore, #tpu.memory_space<semaphore_mem>>)
      %dma_wait3A_120 = arith.constant 0 : i32
      %dma_wait3A_121 = tpu.memref_slice %arg5[%arg0, %mul3A_114, %dma_wait3A_120] : memref<2x10240x128xf32, #tpu.memory_space<hbm>> -> memref<1x640x128xf32, #tpu.memory_space<hbm>>
      %dma_wait3A_122 = tpu.memref_squeeze %dma_wait3A_121 : memref<1x640x128xf32, #tpu.memory_space<hbm>> -> memref<640x128xf32, #tpu.memory_space<hbm>>
      %dma_wait3A_123 = arith.constant 0 : i32
      %dma_wait3A_124 = tpu.memref_slice %arg6[%mul3A_112, %dma_wait3A_123] : memref<10240x128xf32, #tpu.memory_space<vmem_shared>> -> memref<640x128xf32, #tpu.memory_space<vmem_shared>>
      tpu.wait_dma2 semaphore(%run_scoped3A : memref<!tpu.dma_semaphore, #tpu.memory_space<semaphore_mem>>) src(%dma_wait3A_124 : memref<640x128xf32, #tpu.memory_space<vmem_shared>>) dst(%dma_wait3A_122 : memref<640x128xf32, #tpu.memory_space<hbm>>)
      tpu.yield
    }) : () -> ()
    "tpu.trace_stop"() : () -> ()
    return
  }
}

module attributes {stable_mosaic.version = 14 : i64} {
  func.func @_mm1_body(%arg0: i32, %arg1: memref<1024x128xf32, #tpu.memory_space<vmem>>, %arg2: memref<1024x128xf32, #tpu.memory_space<vmem>>, %arg3: memref<1024x128xf32, #tpu.memory_space<vmem>>, %arg4: memref<1024xf32, #tpu.memory_space<vmem>>, %arg5: memref<128x128xf32, #tpu.memory_space<vmem>>, %arg6: memref<128x128xf32, #tpu.memory_space<vmem>>, %arg7: memref<128x128xf32, #tpu.memory_space<vmem>>, %arg8: memref<1x128xf32, #tpu.memory_space<vmem>>, %arg9: memref<1024x128xf32, #tpu.memory_space<vmem>>) attributes {dimension_semantics = [#tpu.dimension_semantics<arbitrary>], iteration_bounds = array<i64: 10>, scalar_prefetch = 0 : i64, scratch_operands = 0 : i64, tpu.core_type = #tpu.core_type<tc>, window_params = [{transform_indices = @transform_0, window_bounds = array<i64: 1024, 128>}, {transform_indices = @transform_1, window_bounds = array<i64: 1024, 128>}, {transform_indices = @transform_2, window_bounds = array<i64: 1024, 128>}, {transform_indices = @transform_3, window_bounds = array<i64: 1024>}, {pipeline_mode = #tpu.pipeline_mode<synchronous>, transform_indices = @transform_4, window_bounds = array<i64: 128, 128>}, {pipeline_mode = #tpu.pipeline_mode<synchronous>, transform_indices = @transform_5, window_bounds = array<i64: 128, 128>}, {pipeline_mode = #tpu.pipeline_mode<synchronous>, transform_indices = @transform_6, window_bounds = array<i64: 128, 128>}, {pipeline_mode = #tpu.pipeline_mode<synchronous>, transform_indices = @transform_7, window_bounds = array<i64: 1, 128>}, {transform_indices = @transform_8, window_bounds = array<i64: 1024, 128>}]} {
    %get3A = arith.constant 0 : index
    %get3A_0 = arith.constant 0 : index
    %get3A_1 = vector.load %arg1[%get3A, %get3A_0] : memref<1024x128xf32, #tpu.memory_space<vmem>>, vector<1024x128xf32>
    %get3A_2 = arith.constant 0 : index
    %get3A_3 = arith.constant 0 : index
    %get3A_4 = vector.load %arg5[%get3A_2, %get3A_3] : memref<128x128xf32, #tpu.memory_space<vmem>>, vector<128x128xf32>
    %convert_element_type3A = arith.truncf %get3A_1 : vector<1024x128xf32> to vector<1024x128xbf16>
    %convert_element_type3A_5 = arith.truncf %get3A_4 : vector<128x128xf32> to vector<128x128xbf16>
    %dot_general3A = arith.constant dense<0.000000e+00> : vector<1024x128xf32>
    %dot_general3A_6 = tpu.matmul %convert_element_type3A, %convert_element_type3A_5, %dot_general3A {dimension_numbers = #tpu.dot_dimension_numbers<[1], [0], [0], [1], [0, 0, 1, 1], [], []>, transpose_lhs_hint = false} : vector<1024x128xbf16>, vector<128x128xbf16>, vector<1024x128xf32> -> vector<1024x128xf32>
    %get3A_7 = arith.constant 0 : index
    %get3A_8 = arith.constant 0 : index
    %get3A_9 = vector.load %arg2[%get3A_7, %get3A_8] : memref<1024x128xf32, #tpu.memory_space<vmem>>, vector<1024x128xf32>
    %get3A_10 = arith.constant 0 : index
    %get3A_11 = arith.constant 0 : index
    %get3A_12 = vector.load %arg6[%get3A_10, %get3A_11] : memref<128x128xf32, #tpu.memory_space<vmem>>, vector<128x128xf32>
    %convert_element_type3A_13 = arith.truncf %get3A_9 : vector<1024x128xf32> to vector<1024x128xbf16>
    %convert_element_type3A_14 = arith.truncf %get3A_12 : vector<128x128xf32> to vector<128x128xbf16>
    %dot_general3A_15 = arith.constant dense<0.000000e+00> : vector<1024x128xf32>
    %dot_general3A_16 = tpu.matmul %convert_element_type3A_13, %convert_element_type3A_14, %dot_general3A_15 {dimension_numbers = #tpu.dot_dimension_numbers<[1], [0], [0], [1], [0, 0, 1, 1], [], []>, transpose_lhs_hint = false} : vector<1024x128xbf16>, vector<128x128xbf16>, vector<1024x128xf32> -> vector<1024x128xf32>
    %add3A = arith.addf %dot_general3A_6, %dot_general3A_16 : vector<1024x128xf32>
    %get3A_17 = arith.constant 0 : index
    %get3A_18 = arith.constant 0 : index
    %get3A_19 = vector.load %arg3[%get3A_17, %get3A_18] : memref<1024x128xf32, #tpu.memory_space<vmem>>, vector<1024x128xf32>
    %get3A_20 = arith.constant 0 : index
    %get3A_21 = arith.constant 0 : index
    %get3A_22 = vector.load %arg7[%get3A_20, %get3A_21] : memref<128x128xf32, #tpu.memory_space<vmem>>, vector<128x128xf32>
    %convert_element_type3A_23 = arith.truncf %get3A_19 : vector<1024x128xf32> to vector<1024x128xbf16>
    %convert_element_type3A_24 = arith.truncf %get3A_22 : vector<128x128xf32> to vector<128x128xbf16>
    %dot_general3A_25 = arith.constant dense<0.000000e+00> : vector<1024x128xf32>
    %dot_general3A_26 = tpu.matmul %convert_element_type3A_23, %convert_element_type3A_24, %dot_general3A_25 {dimension_numbers = #tpu.dot_dimension_numbers<[1], [0], [0], [1], [0, 0, 1, 1], [], []>, transpose_lhs_hint = false} : vector<1024x128xbf16>, vector<128x128xbf16>, vector<1024x128xf32> -> vector<1024x128xf32>
    %add3A_27 = arith.addf %add3A, %dot_general3A_26 : vector<1024x128xf32>
    %get3A_28 = arith.constant 0 : index
    %get3A_29 = vector.load %arg4[%get3A_28] : memref<1024xf32, #tpu.memory_space<vmem>>, vector<1024xf32>
    %broadcast_in_dim3A = vector.shape_cast %get3A_29 : vector<1024xf32> to vector<1024x1xf32>
    %get3A_30 = arith.constant 0 : index
    %get3A_31 = arith.constant 0 : index
    %get3A_32 = vector.load %arg8[%get3A_30, %get3A_31] : memref<1x128xf32, #tpu.memory_space<vmem>>, vector<1x128xf32>
    %mul3A = vector.broadcast %broadcast_in_dim3A : vector<1024x1xf32> to vector<1024x128xf32>
    %mul3A_33 = vector.broadcast %get3A_32 : vector<1x128xf32> to vector<1024x128xf32>
    %mul3A_34 = arith.mulf %mul3A, %mul3A_33 : vector<1024x128xf32>
    %add3A_35 = arith.addf %add3A_27, %mul3A_34 : vector<1024x128xf32>
    %swap3A = arith.constant 0 : index
    %swap3A_36 = arith.constant 0 : index
    %swap3A_37 = vector.load %arg9[%swap3A, %swap3A_36] : memref<1024x128xf32, #tpu.memory_space<vmem>>, vector<1024x128xf32>
    tpu.vector_store %arg9[%swap3A, %swap3A_36], %add3A_35 {strides = array<i32>} : memref<1024x128xf32, #tpu.memory_space<vmem>>, vector<1024x128xf32>,
    return
  }
  func.func @transform_0(%arg0: i32) -> (i32, i32) {
    %c0_i32 = arith.constant 0 : i32
    %c0_i32_0 = arith.constant 0 : i32
    return %arg0, %c0_i32 : i32, i32
  }
  func.func @transform_1(%arg0: i32) -> (i32, i32) {
    %c0_i32 = arith.constant 0 : i32
    %c0_i32_0 = arith.constant 0 : i32
    return %arg0, %c0_i32 : i32, i32
  }
  func.func @transform_2(%arg0: i32) -> (i32, i32) {
    %c0_i32 = arith.constant 0 : i32
    %c0_i32_0 = arith.constant 0 : i32
    return %arg0, %c0_i32 : i32, i32
  }
  func.func @transform_3(%arg0: i32) -> i32 {
    %c0_i32 = arith.constant 0 : i32
    return %arg0 : i32
  }
  func.func @transform_4(%arg0: i32) -> (i32, i32) {
    %c0_i32 = arith.constant 0 : i32
    %c0_i32_0 = arith.constant 0 : i32
    %c0_i32_1 = arith.constant 0 : i32
    return %c0_i32, %c0_i32_0 : i32, i32
  }
  func.func @transform_5(%arg0: i32) -> (i32, i32) {
    %c0_i32 = arith.constant 0 : i32
    %c0_i32_0 = arith.constant 0 : i32
    %c0_i32_1 = arith.constant 0 : i32
    return %c0_i32, %c0_i32_0 : i32, i32
  }
  func.func @transform_6(%arg0: i32) -> (i32, i32) {
    %c0_i32 = arith.constant 0 : i32
    %c0_i32_0 = arith.constant 0 : i32
    %c0_i32_1 = arith.constant 0 : i32
    return %c0_i32, %c0_i32_0 : i32, i32
  }
  func.func @transform_7(%arg0: i32) -> (i32, i32) {
    %c0_i32 = arith.constant 0 : i32
    %c0_i32_0 = arith.constant 0 : i32
    %c0_i32_1 = arith.constant 0 : i32
    return %c0_i32, %c0_i32_0 : i32, i32
  }
  func.func @transform_8(%arg0: i32) -> (i32, i32) {
    %c0_i32 = arith.constant 0 : i32
    %c0_i32_0 = arith.constant 0 : i32
    return %arg0, %c0_i32 : i32, i32
  }
}

module attributes {stable_mosaic.version = 14 : i64} {
  func.func @_mm2_body(%arg0: i32, %arg1: memref<1024x128xf32, #tpu.memory_space<vmem>>, %arg2: memref<1x1024x128xf32, #tpu.memory_space<vmem>>, %arg3: memref<1x1024x128xf32, #tpu.memory_space<vmem>>, %arg4: memref<1x128xf32, #tpu.memory_space<vmem>>, %arg5: memref<128x128xf32, #tpu.memory_space<vmem>>, %arg6: memref<1x128xf32, #tpu.memory_space<vmem>>, %arg7: memref<1024x128xf32, #tpu.memory_space<vmem>>) attributes {dimension_semantics = [#tpu.dimension_semantics<arbitrary>], iteration_bounds = array<i64: 10>, scalar_prefetch = 0 : i64, scratch_operands = 0 : i64, tpu.core_type = #tpu.core_type<tc>, window_params = [{transform_indices = @transform_0, window_bounds = array<i64: 1024, 128>}, {transform_indices = @transform_1, window_bounds = array<i64: 1, 1024, 128>}, {transform_indices = @transform_2, window_bounds = array<i64: 1, 1024, 128>}, {pipeline_mode = #tpu.pipeline_mode<synchronous>, transform_indices = @transform_3, window_bounds = array<i64: 1, 128>}, {pipeline_mode = #tpu.pipeline_mode<synchronous>, transform_indices = @transform_4, window_bounds = array<i64: 128, 128>}, {pipeline_mode = #tpu.pipeline_mode<synchronous>, transform_indices = @transform_5, window_bounds = array<i64: 1, 128>}, {transform_indices = @transform_6, window_bounds = array<i64: 1024, 128>}]} {
    %get3A = arith.constant 0 : index
    %get3A_0 = arith.constant 0 : index
    %get3A_1 = vector.load %arg1[%get3A, %get3A_0] : memref<1024x128xf32, #tpu.memory_space<vmem>>, vector<1024x128xf32>
    %get3A_2 = arith.constant 0 : index
    %get3A_3 = arith.constant 0 : index
    %get3A_4 = arith.constant 0 : index
    %get3A_5 = vector.load %arg2[%get3A_2, %get3A_3, %get3A_4] : memref<1x1024x128xf32, #tpu.memory_space<vmem>>, vector<1x1024x128xf32>
    %get3A_6 = vector.shape_cast %get3A_5 : vector<1x1024x128xf32> to vector<1024x128xf32>
    %add3A = arith.addf %get3A_1, %get3A_6 : vector<1024x128xf32>
    %get3A_7 = arith.constant 0 : index
    %get3A_8 = arith.constant 0 : index
    %get3A_9 = arith.constant 0 : index
    %get3A_10 = vector.load %arg3[%get3A_7, %get3A_8, %get3A_9] : memref<1x1024x128xf32, #tpu.memory_space<vmem>>, vector<1x1024x128xf32>
    %get3A_11 = vector.shape_cast %get3A_10 : vector<1x1024x128xf32> to vector<1024x128xf32>
    %add3A_12 = arith.addf %add3A, %get3A_11 : vector<1024x128xf32>
    %get3A_13 = arith.constant 0 : index
    %get3A_14 = arith.constant 0 : index
    %get3A_15 = vector.load %arg4[%get3A_13, %get3A_14] : memref<1x128xf32, #tpu.memory_space<vmem>>, vector<1x128xf32>
    %add3A_16 = vector.broadcast %get3A_15 : vector<1x128xf32> to vector<1024x128xf32>
    %add3A_17 = arith.addf %add3A_12, %add3A_16 : vector<1024x128xf32>
    %max3A = arith.constant 0.000000e+00 : f32
    %max3A_18 = vector.broadcast %max3A : f32 to vector<1024x128xf32>
    %max3A_19 = arith.maximumf %add3A_17, %max3A_18 : vector<1024x128xf32>
    %get3A_20 = arith.constant 0 : index
    %get3A_21 = arith.constant 0 : index
    %get3A_22 = vector.load %arg5[%get3A_20, %get3A_21] : memref<128x128xf32, #tpu.memory_space<vmem>>, vector<128x128xf32>
    %convert_element_type3A = arith.truncf %max3A_19 : vector<1024x128xf32> to vector<1024x128xbf16>
    %convert_element_type3A_23 = arith.truncf %get3A_22 : vector<128x128xf32> to vector<128x128xbf16>
    %dot_general3A = arith.constant dense<0.000000e+00> : vector<1024x128xf32>
    %dot_general3A_24 = tpu.matmul %convert_element_type3A, %convert_element_type3A_23, %dot_general3A {dimension_numbers = #tpu.dot_dimension_numbers<[1], [0], [0], [1], [0, 0, 1, 1], [], []>, transpose_lhs_hint = false} : vector<1024x128xbf16>, vector<128x128xbf16>, vector<1024x128xf32> -> vector<1024x128xf32>
    %get3A_25 = arith.constant 0 : index
    %get3A_26 = arith.constant 0 : index
    %get3A_27 = vector.load %arg6[%get3A_25, %get3A_26] : memref<1x128xf32, #tpu.memory_space<vmem>>, vector<1x128xf32>
    %add3A_28 = vector.broadcast %get3A_27 : vector<1x128xf32> to vector<1024x128xf32>
    %add3A_29 = arith.addf %dot_general3A_24, %add3A_28 : vector<1024x128xf32>
    %swap3A = arith.constant 0 : index
    %swap3A_30 = arith.constant 0 : index
    %swap3A_31 = vector.load %arg7[%swap3A, %swap3A_30] : memref<1024x128xf32, #tpu.memory_space<vmem>>, vector<1024x128xf32>
    tpu.vector_store %arg7[%swap3A, %swap3A_30], %add3A_29 {strides = array<i32>} : memref<1024x128xf32, #tpu.memory_space<vmem>>, vector<1024x128xf32>,
    return
  }
  func.func @transform_0(%arg0: i32) -> (i32, i32) {
    %c0_i32 = arith.constant 0 : i32
    %c0_i32_0 = arith.constant 0 : i32
    return %arg0, %c0_i32 : i32, i32
  }
  func.func @transform_1(%arg0: i32) -> (i32, i32, i32) {
    %c0_i32 = arith.constant 0 : i32
    %c0_i32_0 = arith.constant 0 : i32
    %c0_i32_1 = arith.constant 0 : i32
    return %c0_i32, %arg0, %c0_i32_0 : i32, i32, i32
  }
  func.func @transform_2(%arg0: i32) -> (i32, i32, i32) {
    %c1_i32 = arith.constant 1 : i32
    %c0_i32 = arith.constant 0 : i32
    %c0_i32_0 = arith.constant 0 : i32
    return %c1_i32, %arg0, %c0_i32 : i32, i32, i32
  }
  func.func @transform_3(%arg0: i32) -> (i32, i32) {
    %c0_i32 = arith.constant 0 : i32
    %c0_i32_0 = arith.constant 0 : i32
    %c0_i32_1 = arith.constant 0 : i32
    return %c0_i32, %c0_i32_0 : i32, i32
  }
  func.func @transform_4(%arg0: i32) -> (i32, i32) {
    %c0_i32 = arith.constant 0 : i32
    %c0_i32_0 = arith.constant 0 : i32
    %c0_i32_1 = arith.constant 0 : i32
    return %c0_i32, %c0_i32_0 : i32, i32
  }
  func.func @transform_5(%arg0: i32) -> (i32, i32) {
    %c0_i32 = arith.constant 0 : i32
    %c0_i32_0 = arith.constant 0 : i32
    %c0_i32_1 = arith.constant 0 : i32
    return %c0_i32, %c0_i32_0 : i32, i32
  }
  func.func @transform_6(%arg0: i32) -> (i32, i32) {
    %c0_i32 = arith.constant 0 : i32
    %c0_i32_0 = arith.constant 0 : i32
    return %arg0, %c0_i32 : i32, i32
  }
}

</mosaic_0001>

<sc_bundles>
// kernel: kernel.5.cloned.1.call-start
scs
__scs_entry_jumppad:
0x0: {  	(pc) =	sbr.rel $0x88, $3  }
0x1: {  	(tag) =	ssettag $0x0;
	lr =	simm.s32 $0x1  }
0x2: {  	[smem:$0x3F98] =	sst lr;
	_ =	strace $0xD0000000  }
0x3: {  	_ = 	snop  }
0x4: {  	_ = 	snop  }
0x5: {  	_ = 	snop  }
0x6: {  	_ = 	snop  }
0x7: {  	_ = 	snop  }
__scs_overlays_trampoline_lowered:
0x8: {  	[smem:$0x3FA7] =	sst s0  }
0x9: {  	[smem:$0x3FA8] =	sst s1  }
0xa: {  	[smem:$0x3FA9] =	sst s2  }
0xb: {  	[smem:$0x3FAA] =	sst s3  }
0xc: {  	[smem:$0x3FAB] =	sst s4  }
0xd: {  	[smem:$0x3FAC] =	sst s5  }
0xe: {  	[smem:$0x3FAD] =	sst s6  }
0xf: {  	[smem:$0x3FAE] =	sst s7  }
0x10: {  	[smem:$0x3FAF] =	sst s8  }
0x11: {  	[smem:$0x3FB0] =	sst s9;
	s0 =	simm.s32 @!p0 $0x0  }
0x12: {  	s1 =	sld [smem:$0x3F96];
	s0 =	simm.s32 @p0 $0x1  }
0x13: {  	[smem:$0x3FB1] =	sst s0;
	s0 =	simm.s32 @!p1 $0x0  }
0x14: {  	s2 =	sld [smem:$0x3F95];
	s0 =	simm.s32 @p1 $0x1  }
0x15: {  	[smem:$0x3FB2] =	sst s0;
	s0 =	simm.s32 @!p2 $0x0  }
0x16: {  	s3 =	sld [smem:$0x3FDB];
	s0 =	simm.s32 @p2 $0x1  }
0x17: {  	s4 =	simm.s32 $0x1BF5;
	[smem:$0x3FB4] =	sst s0  }
0x18: {  	s0 =	sld [smem:$0x3F97];
	_ =	swait.ge [sflag:s4], $0x0  }
0x19: {  	s7 =	sld [smem:$0x3F98]  }
0x1a: {  	s8 =	sadd.s32 $0xFFFFE003, lr  }
0x1b: {  	s9 =	sadd.s32 $0xFFFFFEF7, lr;
	s5 =	simm.s32 $0xFFFFFFFF;
	p2 =	slt.u32 s8, $0xFFFFF086  }
0x1c: {  	p1 =	slt.u32 s9, $0xF7A;
	s5 =	simm.s32 @!p2 $0x0  }
0x1d: {  	s5 =	simm.s32 @p1 $0x1;
	p0 =	seq.s32 s7, s2  }
0x1e: {  	s7 =	smul.u32 @!p0 $0xF7A, s2;
	p2 =	seq.s32 @!p0 s5, $0x0  }
0x1f: {  	s9 =	smul.u32 $0xF7A, s1;
	s8 =	simm.s32 @!p0 $0x1BF5;
	p2 =	por !p2, p0  }
0x20: {  	[sflag:s8] =	ssyncset.s32 @!p0 $0xFFFFF086;
	s6 =	sadd.s32 @!p0 s3, s7;
	s7 =	simm.s32 @!p0 $0x108  }
0x21: {  	s3 =	sadd.s32 s3, s9;
	s6 =	sadd.s32 @!p0 $0x88, s6;
	s7 =	simm.s32 @p2 $0x1082  }
0x22: {  	[simem:s7], [sflag:s8] =	dma.local @!p0 [hbm:s6], $0xF7A  }
0x23: {  	s9 =	sor.u32 $0xD0000000, s2;
	s6 =	simm.s32 $0x108;
	_ =	swait.ge @!p0 [sflag:s8], $0x0  }
0x24: {  	s3 =	sadd.s32 $0x88, s3;
	s6 =	simm.s32 @!p1 $0x1082;
	[sflag:s4] =	ssyncset.s32 $0xFFFFF086  }
0x25: {  	[simem:s6], [sflag:s4] =	dma.local [hbm:s3], $0xF7A  }
0x26: {  	[smem:$0x3F98] =	sst s1;
	(tag) =	ssettag s2;
	_ =	strace s9  }
0x27: {  	s1 =	sld [smem:$0x3FA8]  }
0x28: {  	s2 =	sld [smem:$0x3FA9]  }
0x29: {  	s4 =	sld [smem:$0x3FAB]  }
0x2a: {  	p0 =	seq.s32 s5, $0x0;
	s5 =	sld [smem:$0x3FAC]  }
0x2b: {  	s6 =	sld [smem:$0x3FAD]  }
0x2c: {  	s7 =	sld [smem:$0x3FAE]  }
0x2d: {  	s3 =	simm.s32 $0x108;
	s8 =	sld [smem:$0x3FAF]  }
0x2e: {  	s3 =	simm.s32 @!p0 $0x1082;
	s9 =	sld [smem:$0x3FB0]  }
0x2f: {  	lr =	sadd.s32 s0, s3;
	s0 =	sld [smem:$0x3FA7]  }
0x30: {  	s3 =	sld [smem:$0x3FAA]  }
0x31: {  	[smem:$0x3FB3] =	sst s10  }
0x32: {  	s10 =	sld [smem:$0x3FB1];
	_ =	sdelay $0x3  }
0x33: {  	p0 =	seq.s32 s10, $0x1;
	s10 =	sld [smem:$0x3FB3];
	_ =	sdelay $0x3  }
0x34: {  	[smem:$0x3FB3] =	sst s10  }
0x35: {  	s10 =	sld [smem:$0x3FB2];
	_ =	sdelay $0x3  }
0x36: {  	p1 =	seq.s32 s10, $0x1;
	s10 =	sld [smem:$0x3FB3];
	_ =	sdelay $0x3  }
0x37: {  	[smem:$0x3FB3] =	sst s10  }
0x38: {  	s10 =	sld [smem:$0x3FB4]  }
0x39: {  	_ = 	snop;
	(pc) =	sbr.ind lr, $3  }
0x3a: {  	_ = 	snop  }
0x3b: {  	_ = 	snop  }
0x3c: {  	p2 =	seq.s32 s10, $0x1;
	s10 =	sld [smem:$0x3FB3]  }
0x3d: {  	_ =	shalt  }
0x3e: {  	_ =	shalt  }
0x3f: {  	_ =	shalt  }
0x40: {  	_ =	shalt  }
0x41: {  	_ =	shalt  }
0x42: {  	_ =	shalt  }
0x43: {  	_ =	shalt  }
0x44: {  	_ =	shalt  }
0x45: {  	_ =	shalt  }
0x46: {  	_ =	shalt  }
0x47: {  	_ =	shalt  }
0x48: {  	_ =	shalt  }
0x49: {  	_ =	shalt  }
0x4a: {  	_ =	shalt  }
0x4b: {  	_ =	shalt  }
0x4c: {  	_ =	shalt  }
0x4d: {  	_ =	shalt  }
0x4e: {  	_ =	shalt  }
0x4f: {  	_ =	shalt  }
0x50: {  	_ =	shalt  }
0x51: {  	_ =	shalt  }
0x52: {  	_ =	shalt  }
0x53: {  	_ =	shalt  }
0x54: {  	_ =	shalt  }
0x55: {  	_ =	shalt  }
0x56: {  	_ =	shalt  }
0x57: {  	_ =	shalt  }
0x58: {  	_ =	shalt  }
0x59: {  	_ =	shalt  }
0x5a: {  	_ =	shalt  }
0x5b: {  	_ =	shalt  }
0x5c: {  	_ =	shalt  }
0x5d: {  	_ =	shalt  }
0x5e: {  	_ =	shalt  }
0x5f: {  	_ =	shalt  }
0x60: {  	_ =	shalt  }
0x61: {  	_ =	shalt  }
0x62: {  	_ =	shalt  }
0x63: {  	_ =	shalt  }
0x64: {  	_ =	shalt  }
0x65: {  	_ =	shalt  }
0x66: {  	_ =	shalt  }
0x67: {  	_ =	shalt  }
0x68: {  	_ =	shalt  }
0x69: {  	_ =	shalt  }
0x6a: {  	_ =	shalt  }
0x6b: {  	_ =	shalt  }
0x6c: {  	_ =	shalt  }
0x6d: {  	_ =	shalt  }
0x6e: {  	_ =	shalt  }
0x6f: {  	_ =	shalt  }
0x70: {  	_ =	shalt  }
0x71: {  	_ =	shalt  }
0x72: {  	_ =	shalt  }
0x73: {  	_ =	shalt  }
0x74: {  	_ =	shalt  }
0x75: {  	_ =	shalt  }
0x76: {  	_ =	shalt  }
0x77: {  	_ =	shalt  }
0x78: {  	_ =	shalt  }
0x79: {  	_ =	shalt  }
0x7a: {  	_ =	shalt  }
0x7b: {  	_ =	shalt  }
0x7c: {  	_ =	shalt  }
0x7d: {  	_ =	shalt  }
0x7e: {  	_ =	shalt  }
0x7f: {  	_ =	shalt  }
0x80: {  	_ =	shalt  }
0x81: {  	_ =	shalt  }
0x82: {  	_ =	shalt  }
0x83: {  	_ =	shalt  }
0x84: {  	_ =	shalt  }
0x85: {  	_ =	shalt  }
0x86: {  	_ =	shalt  }
0x87: {  	_ =	shalt  }
.Lfunc_end0:
.L_simem_size_0:
called_computation_lowered:
.L_overlay_start_0:
0x88: {  	s2 =	sld [smem:$0x3FD9]  }
0x89: {  	s3 =	sld [smem:$0x3FFE];
	_ =	sdelay $0x1  }
0x8a: {  	s1 =	srdreg.scid  }
0x8b: {  	s0 =	sand.u32 $0x1, s1  }
0x8c: {  	s17 =	sshll.u32 s0, $0xA;
	s2 =	sadd.s32 s3, s2  }
0x8d: {  	s2 =	sadd.s32 s2, s17  }
0x8e: {  	[smem:$0x3FBF] =	sst s2  }
0x8f: {  	_ = 	snop  }
0x90: {  	s2 =	sld [smem:$0x3FD0];
	(tm) =	ssettm $0x1  }
0x91: {  	s18 =	sld [smem:$0x3FFB];
	_ =	sdelay $0x3  }
0x92: {  	_ =	strace s18  }
0x93: {  	s3 =	sld [smem:$0x3FFC];
	_ =	sdelay $0x3  }
0x94: {  	_ =	strace s3  }
0x95: {  	s3 =	sld [smem:$0x3FFD];
	_ =	sdelay $0x3  }
0x96: {  	_ =	strace s3  }
0x97: {  	_ =	strace $0x8FFFFFFF  }
0x98: {  	s19 =	sld [smem:$0x3FDB];
	_ =	sdelay $0x1  }
0x99: {  	s4 =	simm.s32 $_scs_section_size  }
0x9a: {  	s5 =	simm.s32 $_size__tile_overlayer_lowered;
	s6 =	simm.s32 $_tile_overlayer_lowered  }
0x9b: {  	s22 =	simm.s32 $0x1BFF;
	s21 =	sshll.u32 s6, $0x1;
	s3 =	sadd.s32 s4, s19  }
0x9c: {  	s7 =	simm.s32 $0x0;
	s20 =	sshll.u32 s5, $0x1;
	s5 =	sadd.s32 s21, s3  }
0x9d: {  	[timem:s7], [sflag:s22] =	dma.local [hbm:s5], s20  }
0x9e: {  	_ =	swait.ge [sflag:s22], s20  }
0x9f: {  	s4 =	ssub.s32 $0x0, s20;
	[sflag:s22] =	ssyncset.done $0x0  }
0xa0: {  	[sflag:s22] =	ssyncadd.s32 s4;
	_ =	sdelay $0x1  }
0xa1: {  	s23 =	simm.s32 $0x1B8B  }
0xa2: {  	_ =	swait.ge [sflag:s23], $0x1  }
0xa3: {  	[sflag:s23] =	ssyncset.done $0x0  }
0xa4: {  	s25 =	simm.s32 $0x1B8E;
	s24 =	sld [smem:$0x3FFE];
	[sflag:s23] =	ssyncadd.s32 $0xFFFFFFFF  }
0xa5: {  	s26 =	simm.s32 $execute0_lowered;
	[smem:$0x3FD2] =	sst s25  }
0xa6: {  	s5 =	sshll.u32 s26, $0x1;
	_ =	strace $0x80000046;
	[dreg:$0x1] =	wrdreg $0xFFFFFFFF  }
0xa7: {  	s28 =	simm.s32 $_size_execute0_lowered;
	s3 =	sadd.s32 s3, s5;
	[dreg:$0x0] =	wrdreg $0x0  }
0xa8: {  	s5 =	sshll.u32 s28, $0x1;
	[dreg:$0x2] =	wrdreg s3  }
0xa9: {  	[dreg:$0x3] =	wrdreg s5  }
0xaa: {  	[dreg:$0x4] =	wrdreg $0xC0  }
0xab: {  	_ =	task [dreg:s7], $0x5FFFF  }
0xac: {  	[dreg:$0x1] =	wrdreg $0xFFFFFFFF  }
0xad: {  	[dreg:$0x0] =	wrdreg $0x60  }
0xae: {  	[dreg:$0x2] =	wrdreg s2  }
0xaf: {  	[dreg:$0x3] =	wrdreg s24  }
0xb0: {  	[dreg:$0x4] =	wrdreg $0x0  }
0xb1: {  	[dreg:$0x5] =	wrdreg $0x9  }
0xb2: {  	_ =	task.clear_ibuf [dreg:s7], $0x6FFFF;
	_ =	strace $0x90000046  }
0xb3: {  	s29 =	simm.s32 $0x9;
	_ =	strace $0x8000004C  }
0xb4: {  	_ =	swait.ge [sflag:s29], $0x1  }
0xb5: {  	[sflag:s29] =	ssyncadd.s32 $0xFFFFFFFF  }
0xb6: {  	_ =	strace $0x9000004C  }
0xb7: {  	_ =	sfence  }
0xb8: {  	s30 =	sld [smem:$0x0];
	_ =	sdelay $0x2  }
0xb9: {  	s31 =	sshll.u32 s1, $0xD;
	s1 =	sshrl.u32 s1, $0x2  }
0xba: {  	s3 =	sand.u32 $0x4000, s31;
	s1 =	sadd.s32 s1, s30  }
0xbb: {  	s0 =	sor.u32 s3, s0;
	s1 =	sshll.u32 s1, $0x11  }
0xbc: {  	s0 =	sor.u32 s1, s0  }
0xbd: {  	s0 =	sadd.s32 $0x8F2B, s0  }
0xbe: {  	[sflag:s0] =	ssyncadd.remote.s32 $0x1  }
0xbf: {  	_ =	sfence.sel $0xFFFF  }
0xc0: {  	[dreg:$0x0] =	wrdreg $0xFFFFFFFF;
	(pc) =	sbr.abs _section_cstart, $3  }
0xc1: {  	[dreg:$0x1] =	wrdreg $0xFFFFFFFF  }
0xc2: {  	_ =	task.clear_ibuf [dreg:s7], $0x2FFFF;
	_ =	strace $0x9FFFFFFF  }
0xc3: {  	(tm) =	ssettm $0x7FFFFFFF  }
tec
execute0_lowered:
.L_overlay_start_1:
0x0: {  	(tag) =	ssettag $0x1  }
0x1: {  	s1 =	rddreg [dreg:$0x0]  }
0x2: {  	s6 =	rddreg [dreg:$0x1]  }
0x3: {  	s2 =	rddreg [dreg:$0x2]  }
0x4: {  	s3 =	srdreg.scid;
	s0 =	rddreg [dreg:$0x3];
	s4 =	simm.s32 $0x0  }
0x5: {  	s18 =	simm.s32 $0x4;
	s19 =	simm.s32 $0x15400;
	s20 =	simm.s32 $0x80  }
0x6: {  	s21 =	simm.s32 $0x16800;
	s22 =	simm.s32 $0x3;
	s23 =	simm.s32 $0x14080  }
0x7: {  	s24 =	simm.s32 $0x1;
	s25 =	simm.s32 $0x2;
	s28 =	simm.s32 $0x16780  }
0x8: {  	s5 =	sand.u32 $0x1, s3;
	s3 =	stileid.u32;
	[smem:$0x7FF] =	sst s4  }
0x9: {  	s12 =	sadd.s32 $0x2E00, s6;
	s13 =	sadd.s32 $0xCE00, s6;
	s7 =	smul.u32 $0x140000, s5  }
0xa: {  	s8 =	smul.u32 $0x14000, s3;
	_ =	strace $0x80000047;
	s9 =	sshll.u32 s3, $0x1  }
0xb: {  	s26 =	smul.u32 $0x50000, s3;
	s10 =	ssub.s32 $0x2, s5;
	s9 =	sor.u32 s5, s9  }
0xc: {  	s30 =	sshrl.u32 s10, $0x1;
	s7 =	sadd.s32 s8, s7;
	s11 =	smul.u32 $0x2800, s9  }
0xd: {  	s29 =	sshrl.u32 s26, $0x2;
	s15 =	ssub.s32 s10, s30;
	s16 =	smul.u32 $0x500, s9  }
0xe: {  	s26 =	simm.s32 $0x16700;
	s7 =	sshrl.u32 s7, $0x3;
	s5 =	sadd.s32 s29, s2  }
0xf: {  	s15 =	smax.u32 s15, $0x1;
	s14 =	sadd.s32 s7, s6;
	s6 =	sadd.s32 $0x4000, s5  }
0x10: {  	s7 =	sadd.s32 $0x8000, s5;
	s31 =	sshrl.u32 s11, $0x3;
	s8 =	sadd.s32 $0xC000, s5  }
0x11: {  	s9 =	sadd.s32 $0x10000, s5;
	s10 =	sadd.s32 s12, s16;
	s11 =	sadd.s32 s13, s16  }
0x12: {  	s16 =	simm.s32 $0x1A800;
	s17 =	sadd.s32 $0x280, s31;
	s14 =	sadd.s32 $0x16E00, s14  }
0x13: {  	v0 =	vimm.f32 $0.0e+00;
	s12 =	sadd.s32 s12, s17;
	s13 =	sadd.s32 s13, s17;
	s17 =	simm.s32 $0x14000  }
.LBB2_1:
0x14: {  	_ =	strace $0x80000048;
	s29 =	simm.s32 $0x0;
	s30 =	simm.s32 $0x200  }
.LBB2_2:
0x15: {  	p0 =	sne.s32 s30, $0xFE00;
	[tilespmem:s29+$0x1A870] =	vst v0  }
0x16: {  	[tilespmem:s29+$0x1A800] =	vst v0  }
0x17: {  	[tilespmem:s29+$0x1A810] =	vst v0  }
.Ltmp0:
0x18: {  	[tilespmem:s29+$0x1A820] =	vst v0;
	(pc) =	sbr.rel @p0 .LBB2_2-.Ltmp0, $4  }
0x19: {  	[tilespmem:s29+$0x1A830] =	vst v0  }
0x1a: {  	[tilespmem:s29+$0x1A840] =	vst v0  }
0x1b: {  	[tilespmem:s29+$0x1A850] =	vst v0  }
0x1c: {  	[tilespmem:s29+$0x1A860] =	vst v0;
	s29 =	sshra.s32 s30, $0x2;
	s30 =	sadd.s32 $0x200, s30  }
0x1d: {  	[tilespmem:s29+$0x1A870] =	vst v0  }
0x1e: {  	[tilespmem:s29+$0x1A800] =	vst v0  }
0x1f: {  	[tilespmem:s29+$0x1A810] =	vst v0  }
0x20: {  	[tilespmem:s29+$0x1A820] =	vst v0  }
0x21: {  	[tilespmem:s29+$0x1A830] =	vst v0  }
0x22: {  	[tilespmem:s29+$0x1A840] =	vst v0  }
0x23: {  	[tilespmem:s29+$0x1A850] =	vst v0  }
0x24: {  	[tilespmem:s29+$0x1A860] =	vst v0  }
0x25: {  	[spmem:s5] =	stream.linear.scatter [tilespmem:s16], [sflag:$0x3], $0x4000, $0x200038;
	[tilespmem:$0x1E800] =	vst v63  }
0x26: {  	_ = 	snop  }
0x27: {  	[spmem:s6] =	stream.linear.scatter [tilespmem:s16], [sflag:$0x3], $0x4000, $0x200038;
	[tilespmem:$0x1E800] =	vst v63  }
0x28: {  	_ = 	snop  }
0x29: {  	[spmem:s7] =	stream.linear.scatter [tilespmem:s16], [sflag:$0x3], $0x4000, $0x200038;
	[tilespmem:$0x1E800] =	vst v63  }
0x2a: {  	_ = 	snop  }
0x2b: {  	[spmem:s8] =	stream.linear.scatter [tilespmem:s16], [sflag:$0x3], $0x4000, $0x200038;
	[tilespmem:$0x1E800] =	vst v63  }
0x2c: {  	_ = 	snop  }
0x2d: {  	[spmem:s9] =	stream.linear.scatter [tilespmem:s16], [sflag:$0x3], $0x4000, $0x200038;
	[tilespmem:$0x1E800] =	vst v63  }
0x2e: {  	s29 =	simm.s32 $0x0  }
0x2f: {  	[tilespmem:s17], [sflag:$0x4] =	stream.linear.gather [hbm4b:s10+s29], $0x1400, $0x200038;
	[tilespmem:$0x1E800] =	vst v63  }
0x30: {  	_ =	swait.ge [sflag:s18], $0x1400  }
0x31: {  	[sflag:s18] =	ssyncset.done $0x0  }
0x32: {  	[sflag:s18] =	ssyncadd.s32 $0xFFFFEC00  }
0x33: {  	[tilespmem:s19], [sflag:$0x4] =	stream.linear.gather [hbm4b:s11+s29], $0x1400, $0x200038;
	[tilespmem:$0x1E800] =	vst v63  }
0x34: {  	_ =	swait.ge [sflag:s18], $0x1400  }
0x35: {  	[sflag:s18] =	ssyncset.done $0x0  }
0x36: {  	[sflag:s18] =	ssyncadd.s32 $0xFFFFEC00  }
0x37: {  	[tilespmem:s21], [sflag:$0x1] =	stream.indirect.gather [hbm4b:s1+s20], $0x80, s17, s20, $0x2000b8;
	[tilespmem:$0x1E800] =	vst v63  }
0x38: {  	_ =	swait.ge [sflag:s22], $0x4000  }
0x39: {  	[sflag:s22] =	ssyncset.done $0x0  }
0x3a: {  	[sflag:s22] =	ssyncadd.s32 $0xFFFFC000  }
0x3b: {  	_ =	swait.ge [sflag:s22], $0x4000  }
0x3c: {  	[sflag:s22] =	ssyncset.done $0x0  }
0x3d: {  	[sflag:s22] =	ssyncadd.s32 $0xFFFFC000  }
0x3e: {  	_ =	swait.ge [sflag:s22], $0x4000  }
0x3f: {  	[sflag:s22] =	ssyncset.done $0x0  }
0x40: {  	[sflag:s22] =	ssyncadd.s32 $0xFFFFC000  }
0x41: {  	_ =	swait.ge [sflag:s22], $0x4000  }
0x42: {  	[sflag:s22] =	ssyncset.done $0x0  }
0x43: {  	[sflag:s22] =	ssyncadd.s32 $0xFFFFC000  }
0x44: {  	_ =	swait.ge [sflag:s22], $0x4000  }
0x45: {  	[sflag:s22] =	ssyncset.done $0x0  }
0x46: {  	[sflag:s22] =	ssyncadd.s32 $0xFFFFC000  }
0x47: {  	[tilespmem:s16], [sflag:$0x2] =	stream.indirect.gather [hbm4b:s1+s20], $0x80, s23, s20, $0x2000b8;
	[tilespmem:$0x1E800] =	vst v63  }
0x48: {  	[bflag:$0x0] =	sbarrier.arrive $0xFFFF  }
0x49: {  	_ =	strace $0x90000048  }
0x4a: {  	_ =	strace $0x80000049  }
0x4b: {  	_ =	swait.ge [sflag:s24], $0x4000  }
0x4c: {  	[sflag:s24] =	ssyncset.done $0x0  }
0x4d: {  	s29 =	simm.s32 $0x15400;
	[sflag:s24] =	ssyncadd.s32 $0xFFFFC000  }
0x4e: {  	[spmem:s2] =	stream.indirect.scatter.add.f32 [tilespmem:s21], [sflag:$0x4], $0x80, s29, s20, $0x2000b8;
	[tilespmem:$0x1E800] =	vst v63  }
0x4f: {  	_ =	swait.ge [sflag:s18], $0x4000  }
0x50: {  	[sflag:s18] =	ssyncset.done $0x0  }
0x51: {  	s29 =	simm.s32 $0x14100;
	[sflag:s18] =	ssyncadd.s32 $0xFFFFC000  }
0x52: {  	[tilespmem:s21], [sflag:$0x1] =	stream.indirect.gather [hbm4b:s1+s20], $0x80, s29, s20, $0x2000b8;
	[tilespmem:$0x1E800] =	vst v63  }
0x53: {  	_ =	swait.ge [sflag:s25], $0x4000  }
0x54: {  	[sflag:s25] =	ssyncset.done $0x0  }
0x55: {  	s29 =	simm.s32 $0x15480;
	[sflag:s25] =	ssyncadd.s32 $0xFFFFC000  }
0x56: {  	[spmem:s2] =	stream.indirect.scatter.add.f32 [tilespmem:s16], [sflag:$0x4], $0x80, s29, s20, $0x2000b8;
	[tilespmem:$0x1E800] =	vst v63  }
0x57: {  	_ =	swait.ge [sflag:s18], $0x4000  }
0x58: {  	[sflag:s18] =	ssyncset.done $0x0  }
0x59: {  	s30 =	simm.s32 $0x14180;
	s29 =	simm.s32 $0x400;
	[sflag:s18] =	ssyncadd.s32 $0xFFFFC000  }
.LBB2_4:
0x5a: {  	[tilespmem:s16], [sflag:$0x2] =	stream.indirect.gather [hbm4b:s1+s20], $0x80, s30, s20, $0x2000b8;
	[tilespmem:$0x1E800] =	vst v63  }
0x5b: {  	s30 =	smov.u32 s29  }
0x5c: {  	p0 =	sne.s32 s29, $0x4800;
	s29 =	sadd.s32 $0x400, s29;
	_ =	swait.ge [sflag:s24], $0x4000  }
0x5d: {  	s30 =	sshra.s32 s30, $0x2;
	[sflag:s24] =	ssyncset.done $0x0  }
0x5e: {  	s31 =	sadd.s32 $0x15400, s30;
	[sflag:s24] =	ssyncadd.s32 $0xFFFFC000  }
0x5f: {  	[spmem:s2] =	stream.indirect.scatter.add.f32 [tilespmem:s21], [sflag:$0x4], $0x80, s31, s20, $0x2000b8;
	[tilespmem:$0x1E800] =	vst v63  }
0x60: {  	_ =	swait.ge [sflag:s18], $0x4000  }
0x61: {  	[sflag:s18] =	ssyncset.done $0x0  }
0x62: {  	s31 =	sadd.s32 $0x14100, s30;
	[sflag:s18] =	ssyncadd.s32 $0xFFFFC000  }
0x63: {  	[tilespmem:s21], [sflag:$0x1] =	stream.indirect.gather [hbm4b:s1+s20], $0x80, s31, s20, $0x2000b8;
	[tilespmem:$0x1E800] =	vst v63  }
0x64: {  	_ =	swait.ge [sflag:s25], $0x4000  }
0x65: {  	[sflag:s25] =	ssyncset.done $0x0  }
.Ltmp1:
0x66: {  	s31 =	sadd.s32 $0x15480, s30;
	[sflag:s25] =	ssyncadd.s32 $0xFFFFC000;
	(pc) =	sbr.rel @p0 .LBB2_4-.Ltmp1, $4  }
0x67: {  	[spmem:s2] =	stream.indirect.scatter.add.f32 [tilespmem:s16], [sflag:$0x4], $0x80, s31, s20, $0x2000b8;
	[tilespmem:$0x1E800] =	vst v63  }
0x68: {  	_ =	swait.ge [sflag:s18], $0x4000  }
0x69: {  	[sflag:s18] =	ssyncset.done $0x0  }
0x6a: {  	s30 =	sadd.s32 $0x14180, s30;
	[sflag:s18] =	ssyncadd.s32 $0xFFFFC000  }
0x6b: {  	[tilespmem:s16], [sflag:$0x2] =	stream.indirect.gather [hbm4b:s1+s20], $0x80, s30, s20, $0x2000b8;
	[tilespmem:$0x1E800] =	vst v63  }
0x6c: {  	_ =	swait.ge [sflag:s24], $0x4000  }
0x6d: {  	[sflag:s24] =	ssyncset.done $0x0  }
0x6e: {  	[sflag:s24] =	ssyncadd.s32 $0xFFFFC000  }
0x6f: {  	[spmem:s2] =	stream.indirect.scatter.add.f32 [tilespmem:s21], [sflag:$0x4], $0x80, s26, s20, $0x2000b8;
	[tilespmem:$0x1E800] =	vst v63  }
0x70: {  	_ =	swait.ge [sflag:s18], $0x4000  }
0x71: {  	[sflag:s18] =	ssyncset.done $0x0  }
0x72: {  	[sflag:s18] =	ssyncadd.s32 $0xFFFFC000  }
0x73: {  	_ =	swait.ge [sflag:s25], $0x4000  }
0x74: {  	[sflag:s25] =	ssyncset.done $0x0  }
0x75: {  	[sflag:s25] =	ssyncadd.s32 $0xFFFFC000  }
0x76: {  	[spmem:s2] =	stream.indirect.scatter.add.f32 [tilespmem:s16], [sflag:$0x4], $0x80, s28, s20, $0x2000b8;
	[tilespmem:$0x1E800] =	vst v63  }
0x77: {  	_ =	swait.ge [sflag:s18], $0x4000  }
0x78: {  	[sflag:s18] =	ssyncset.done $0x0  }
0x79: {  	[sflag:s18] =	ssyncadd.s32 $0xFFFFC000  }
0x7a: {  	_ =	strace $0x90000049  }
0x7b: {  	s29 =	simm.s32 $0x0;
	_ =	strace $0x8000004A  }
0x7c: {  	[tilespmem:s17], [sflag:$0x4] =	stream.linear.gather [hbm4b:s12+s29], $0x1400, $0x200038;
	[tilespmem:$0x1E800] =	vst v63  }
0x7d: {  	_ =	swait.ge [sflag:s18], $0x1400  }
0x7e: {  	[sflag:s18] =	ssyncset.done $0x0  }
0x7f: {  	[sflag:s18] =	ssyncadd.s32 $0xFFFFEC00  }
0x80: {  	[tilespmem:s19], [sflag:$0x4] =	stream.linear.gather [hbm4b:s13+s29], $0x1400, $0x200038;
	[tilespmem:$0x1E800] =	vst v63  }
0x81: {  	_ =	swait.ge [sflag:s18], $0x1400  }
0x82: {  	[sflag:s18] =	ssyncset.done $0x0  }
0x83: {  	[sflag:s18] =	ssyncadd.s32 $0xFFFFEC00  }
0x84: {  	[tilespmem:s21], [sflag:$0x1] =	stream.indirect.gather [hbm4b:s1+s20], $0x80, s17, s20, $0x2000b8;
	[tilespmem:$0x1E800] =	vst v63  }
0x85: {  	_ = 	snop  }
0x86: {  	[tilespmem:s16], [sflag:$0x2] =	stream.indirect.gather [hbm4b:s1+s20], $0x80, s23, s20, $0x2000b8;
	[tilespmem:$0x1E800] =	vst v63  }
0x87: {  	_ =	swait.ge [sflag:s24], $0x4000  }
0x88: {  	[sflag:s24] =	ssyncset.done $0x0  }
0x89: {  	s29 =	simm.s32 $0x15400;
	[sflag:s24] =	ssyncadd.s32 $0xFFFFC000  }
0x8a: {  	[spmem:s2] =	stream.indirect.scatter.add.f32 [tilespmem:s21], [sflag:$0x4], $0x80, s29, s20, $0x2000b8;
	[tilespmem:$0x1E800] =	vst v63  }
0x8b: {  	_ =	swait.ge [sflag:s18], $0x4000  }
0x8c: {  	[sflag:s18] =	ssyncset.done $0x0  }
0x8d: {  	s29 =	simm.s32 $0x14100;
	[sflag:s18] =	ssyncadd.s32 $0xFFFFC000  }
0x8e: {  	[tilespmem:s21], [sflag:$0x1] =	stream.indirect.gather [hbm4b:s1+s20], $0x80, s29, s20, $0x2000b8;
	[tilespmem:$0x1E800] =	vst v63  }
0x8f: {  	_ =	swait.ge [sflag:s25], $0x4000  }
0x90: {  	[sflag:s25] =	ssyncset.done $0x0  }
0x91: {  	s29 =	simm.s32 $0x15480;
	[sflag:s25] =	ssyncadd.s32 $0xFFFFC000  }
0x92: {  	[spmem:s2] =	stream.indirect.scatter.add.f32 [tilespmem:s16], [sflag:$0x4], $0x80, s29, s20, $0x2000b8;
	[tilespmem:$0x1E800] =	vst v63  }
0x93: {  	_ =	swait.ge [sflag:s18], $0x4000  }
0x94: {  	[sflag:s18] =	ssyncset.done $0x0  }
0x95: {  	s30 =	simm.s32 $0x14180;
	s29 =	simm.s32 $0x400;
	[sflag:s18] =	ssyncadd.s32 $0xFFFFC000  }
.LBB2_6:
0x96: {  	[tilespmem:s16], [sflag:$0x2] =	stream.indirect.gather [hbm4b:s1+s20], $0x80, s30, s20, $0x2000b8;
	[tilespmem:$0x1E800] =	vst v63  }
0x97: {  	s30 =	smov.u32 s29  }
0x98: {  	p0 =	sne.s32 s29, $0x4800;
	s29 =	sadd.s32 $0x400, s29;
	_ =	swait.ge [sflag:s24], $0x4000  }
0x99: {  	s30 =	sshra.s32 s30, $0x2;
	[sflag:s24] =	ssyncset.done $0x0  }
0x9a: {  	s31 =	sadd.s32 $0x15400, s30;
	[sflag:s24] =	ssyncadd.s32 $0xFFFFC000  }
0x9b: {  	[spmem:s2] =	stream.indirect.scatter.add.f32 [tilespmem:s21], [sflag:$0x4], $0x80, s31, s20, $0x2000b8;
	[tilespmem:$0x1E800] =	vst v63  }
0x9c: {  	_ =	swait.ge [sflag:s18], $0x4000  }
0x9d: {  	[sflag:s18] =	ssyncset.done $0x0  }
0x9e: {  	s31 =	sadd.s32 $0x14100, s30;
	[sflag:s18] =	ssyncadd.s32 $0xFFFFC000  }
0x9f: {  	[tilespmem:s21], [sflag:$0x1] =	stream.indirect.gather [hbm4b:s1+s20], $0x80, s31, s20, $0x2000b8;
	[tilespmem:$0x1E800] =	vst v63  }
0xa0: {  	_ =	swait.ge [sflag:s25], $0x4000  }
0xa1: {  	[sflag:s25] =	ssyncset.done $0x0  }
.Ltmp2:
0xa2: {  	s31 =	sadd.s32 $0x15480, s30;
	[sflag:s25] =	ssyncadd.s32 $0xFFFFC000;
	(pc) =	sbr.rel @p0 .LBB2_6-.Ltmp2, $4  }
0xa3: {  	[spmem:s2] =	stream.indirect.scatter.add.f32 [tilespmem:s16], [sflag:$0x4], $0x80, s31, s20, $0x2000b8;
	[tilespmem:$0x1E800] =	vst v63  }
0xa4: {  	_ =	swait.ge [sflag:s18], $0x4000  }
0xa5: {  	[sflag:s18] =	ssyncset.done $0x0  }
0xa6: {  	s30 =	sadd.s32 $0x14180, s30;
	[sflag:s18] =	ssyncadd.s32 $0xFFFFC000  }
0xa7: {  	[tilespmem:s16], [sflag:$0x2] =	stream.indirect.gather [hbm4b:s1+s20], $0x80, s30, s20, $0x2000b8;
	[tilespmem:$0x1E800] =	vst v63  }
0xa8: {  	_ =	swait.ge [sflag:s24], $0x4000  }
0xa9: {  	[sflag:s24] =	ssyncset.done $0x0  }
0xaa: {  	[sflag:s24] =	ssyncadd.s32 $0xFFFFC000  }
0xab: {  	[spmem:s2] =	stream.indirect.scatter.add.f32 [tilespmem:s21], [sflag:$0x4], $0x80, s26, s20, $0x2000b8;
	[tilespmem:$0x1E800] =	vst v63  }
0xac: {  	_ =	swait.ge [sflag:s18], $0x4000  }
0xad: {  	[sflag:s18] =	ssyncset.done $0x0  }
0xae: {  	[sflag:s18] =	ssyncadd.s32 $0xFFFFC000  }
0xaf: {  	_ =	swait.ge [sflag:s25], $0x4000  }
0xb0: {  	[sflag:s25] =	ssyncset.done $0x0  }
0xb1: {  	[sflag:s25] =	ssyncadd.s32 $0xFFFFC000  }
0xb2: {  	[spmem:s2] =	stream.indirect.scatter.add.f32 [tilespmem:s16], [sflag:$0x4], $0x80, s28, s20, $0x2000b8;
	[tilespmem:$0x1E800] =	vst v63  }
0xb3: {  	_ =	swait.ge [sflag:s18], $0x4000  }
0xb4: {  	[sflag:s18] =	ssyncset.done $0x0  }
0xb5: {  	[sflag:s18] =	ssyncadd.s32 $0xFFFFC000  }
0xb6: {  	s29 =	sshll.u32 s3, $0x6;
	_ =	strace $0x9000004A  }
0xb7: {  	s31 =	sshrl.u32 s5, $0x3;
	s4 =	sadd.s32 $0x1, s4;
	_ =	strace $0x8000004B  }
0xb8: {  	s29 =	sor.u32 $0x1C04, s29;
	p0 =	sne.s32 s4, s15;
	[bflag:$0x0] =	sbarrier.arrive $0xFFFF  }
0xb9: {  	[hbm:s14], [sflag:s29] =	dma.local [spmem:s31], $0x2800  }
.Ltmp3:
0xba: {  	_ = 	snop;
	(pc) =	sbr.rel @p0 .LBB2_1-.Ltmp3, $4  }
0xbb: {  	_ =	swait.ge [sflag:s18], $0x2800  }
0xbc: {  	[sflag:s18] =	ssyncset.done $0x0  }
0xbd: {  	[sflag:s18] =	ssyncadd.s32 $0xFFFFD800  }
0xbe: {  	_ =	strace $0x9000004B  }
0xbf: {  	_ =	sfence.sel $0x180000  }
0xc0: {  	[bflag:$0x0] =	sbarrier.arrive $0xFFFF  }
0xc1: {  	p0 =	sne.s32 s3, $0x0;
	_ =	strace $0x90000047  }
0xc2: {  	s0 =	sadd.s32 @!p0 $0x100000, s0;
	[bflag:$0x2] =	sbarrier.arrive $0xFFFF  }
0xc3: {  	[sflag:s0] =	ssyncadd.tile.s32 @!p0 $0x1;
	_ =	shalt  }
.Lfunc_end2:
_tile_overlayer_lowered:
.L_overlay_start_2:
0xc4: {  	(tag) =	ssettag $0x2  }
0xc5: {  	s0 =	rddreg [dreg:$0x0];
	s2 =	stileid.u32  }
0xc6: {  	s1 =	rddreg [dreg:$0x1];
	p0 =	sne.s32 s2, $0x0  }
0xc7: {  	s3 =	rddreg [dreg:$0x2];
	[bflag:$0x3] =	sbarrier.arrive $0xFFFF;
	s2 =	simm.s32 @!p0 $0x1C04  }
0xc8: {  	[timem:s3], [sflag:s2] =	dma.local @!p0 [hbm:s0], s1  }
0xc9: {  	s0 =	simm.s32 @!p0 $0x4  }
0xca: {  	_ =	swait.ge @!p0 [sflag:s0], s1  }
0xcb: {  	s1 =	ssub.s32 @!p0 $0x0, s1;
	[sflag:s0] =	ssyncset.done @!p0 $0x0  }
0xcc: {  	[sflag:s0] =	ssyncadd.s32 @!p0 s1  }
0xcd: {  	[bflag:$0x3] =	sbarrier.arrive $0xFFFF  }
0xce: {  	_ =	shalt  }

</sc_bundles>
